<compile_context>
chip_gen: v7x
topology: tpu7x:2x2x1
jax: 0.10.2.dev20260603
libtpu: 0.0.44.dev20260713+nightly
codegen_flags: <defaults>
</compile_context>

<pallas_src>
import functools

import jax
import jax.numpy as jnp
from jax import lax
from jax.experimental import pallas as pl
from jax.experimental.pallas import tpu as pltpu
from jax.experimental.pallas import tpu_sc as plsc

D = 128
G = 16
NC = 2
NS = 16
NW = NC * NS
EBS = 64
NST = 4
CHUNK = NST * EBS
BLK = 512


def _pad_sizes(n_nodes, n_edges):
    npad = ((n_nodes + 1 + BLK - 1) // BLK) * BLK
    chunk = NW * CHUNK
    epad = ((n_edges + chunk - 1) // chunk) * chunk
    return npad, epad



def _deg_kernel(np_, nchunk):
    rows_s = np_ // NS
    mesh = plsc.VectorSubcoreMesh(core_axis_name="c", subcore_axis_name="s")
    scratch = ([pltpu.VMEM((NST, 2, EBS), jnp.int32),
                pltpu.VMEM((EBS, D), jnp.float32)]
               + [pltpu.SemaphoreType.DMA] * NST
               + [pltpu.VMEM_SHARED((np_, D), jnp.float32)])

    @functools.partial(
        pl.kernel,
        out_type=jax.ShapeDtypeStruct((NC, np_, D), jnp.float32),
        mesh=mesh,
        scratch_types=scratch,
    )
    def k(sd_hbm, ones_hbm, zeros_hbm, out_hbm, slab, onesb, *refs):
        ss = refs[:NST]
        acc = refs[NST]
        c = lax.axis_index("c")
        s = lax.axis_index("s")
        wid = s * NC + c
        pltpu.sync_copy(zeros_hbm.at[pl.ds(s * rows_s, rows_s)],
                        acc.at[pl.ds(s * rows_s, rows_s)])
        pltpu.sync_copy(ones_hbm, onesb)
        plsc.subcore_barrier()
        base = wid * nchunk

        def chunk(t, carry):
            pltpu.sync_copy(sd_hbm.at[base + t], slab)
            sc = [pltpu.async_copy(onesb, acc.at[slab.at[j, 1]],
                                   ss[j], add=True) for j in range(NST)]
            for d in sc:
                d.wait()
            return carry

        lax.fori_loop(0, nchunk, chunk, 0)
        plsc.subcore_barrier()
        pltpu.sync_copy(acc.at[pl.ds(s * rows_s, rows_s)],
                        out_hbm.at[c, pl.ds(s * rows_s, rows_s)])

    return k


def _agg_kernel(np_, nchunk):
    rows_s = np_ // NS
    mesh = plsc.VectorSubcoreMesh(core_axis_name="c", subcore_axis_name="s")
    scratch = ([pltpu.VMEM((NST, 2, EBS), jnp.int32)]
               + [pltpu.VMEM((EBS, D), jnp.float32) for _ in range(NST)]
               + [pltpu.SemaphoreType.DMA] * (2 * NST)
               + [pltpu.VMEM_SHARED((np_, D), jnp.float32)])

    @functools.partial(
        pl.kernel,
        out_type=jax.ShapeDtypeStruct((NC, np_, D), jnp.float32),
        mesh=mesh,
        scratch_types=scratch,
    )
    def k(h_hbm, sd_hbm, zeros_hbm, out_hbm, slab, *refs):
        rb = refs[:NST]
        gs = refs[NST:2 * NST]
        ss = refs[2 * NST:3 * NST]
        acc = refs[3 * NST]
        c = lax.axis_index("c")
        s = lax.axis_index("s")
        wid = s * NC + c
        pltpu.sync_copy(zeros_hbm.at[pl.ds(s * rows_s, rows_s)],
                        acc.at[pl.ds(s * rows_s, rows_s)])
        plsc.subcore_barrier()
        base = wid * nchunk

        def chunk(t, carry):
            pltpu.sync_copy(sd_hbm.at[base + t], slab)
            gd = [pltpu.async_copy(h_hbm.at[slab.at[j, 0]], rb[j], gs[j])
                  for j in range(NST)]
            sc = []
            for j in range(NST):
                gd[j].wait()
                sc.append(pltpu.async_copy(rb[j], acc.at[slab.at[j, 1]],
                                           ss[j], add=True))
            for d in sc:
                d.wait()
            return carry

        lax.fori_loop(0, nchunk, chunk, 0)
        plsc.subcore_barrier()
        pltpu.sync_copy(acc.at[pl.ds(s * rows_s, rows_s)],
                        out_hbm.at[c, pl.ds(s * rows_s, rows_s)])

    return k



def _dis(dg_ref):
    deg = dg_ref[0, :, 0:1] + dg_ref[1, :, 0:1] + 1.0
    return lax.rsqrt(deg)


def _scale_matmul_call(np_, xp, w1, degacc):
    def body(x_ref, w_ref, dg_ref, out_ref):
        dis = _dis(dg_ref)
        h = jnp.dot(x_ref[...], w_ref[...],
                    preferred_element_type=jnp.float32,
                    precision=lax.Precision.HIGHEST)
        out_ref[...] = dis * h

    return pl.pallas_call(
        body,
        grid=(np_ // BLK,),
        in_specs=[
            pl.BlockSpec((BLK, D), lambda i: (i, 0)),
            pl.BlockSpec((D, D), lambda i: (0, 0)),
            pl.BlockSpec((NC, BLK, D), lambda i: (0, i, 0)),
        ],
        out_specs=pl.BlockSpec((BLK, D), lambda i: (i, 0)),
        out_shape=jax.ShapeDtypeStruct((np_, D), jnp.float32),
    )(xp, w1, degacc)


def _mid_layer_call(np_, aggpair, hp, degacc, b, w2):
    def body(ag_ref, hp_ref, dg_ref, b_ref, w_ref, out_ref):
        dis = _dis(dg_ref)
        x1 = jnp.maximum(
            dis * (ag_ref[0] + ag_ref[1] + hp_ref[...]) + b_ref[...], 0.0)
        h2 = jnp.dot(x1, w_ref[...],
                     preferred_element_type=jnp.float32,
                     precision=lax.Precision.HIGHEST)
        out_ref[...] = dis * h2

    return pl.pallas_call(
        body,
        grid=(np_ // BLK,),
        in_specs=[
            pl.BlockSpec((NC, BLK, D), lambda i: (0, i, 0)),
            pl.BlockSpec((BLK, D), lambda i: (i, 0)),
            pl.BlockSpec((NC, BLK, D), lambda i: (0, i, 0)),
            pl.BlockSpec((1, D), lambda i: (0, 0)),
            pl.BlockSpec((D, D), lambda i: (0, 0)),
        ],
        out_specs=pl.BlockSpec((BLK, D), lambda i: (i, 0)),
        out_shape=jax.ShapeDtypeStruct((np_, D), jnp.float32),
    )(aggpair, hp, degacc, b, w2)


def _final_pool_call(np_, aggpair, hp, degacc, b, bidx):
    nblk = np_ // BLK

    def body(ag_ref, hp_ref, dg_ref, b_ref, bi_ref, out_ref, acc, cnt):
        i = pl.program_id(0)

        @pl.when(i == 0)
        def _init():
            acc[...] = jnp.zeros_like(acc)
            cnt[...] = jnp.zeros_like(cnt)

        dis = _dis(dg_ref)
        x2 = jnp.maximum(
            dis * (ag_ref[0] + ag_ref[1] + hp_ref[...]) + b_ref[...], 0.0)
        onehot = (bi_ref[...] ==
                  lax.broadcasted_iota(jnp.int32, (BLK, G), 1)
                  ).astype(jnp.float32)
        dn = (((0,), (0,)), ((), ()))
        acc[...] += lax.dot_general(onehot, x2, dn,
                                    preferred_element_type=jnp.float32,
                                    precision=lax.Precision.HIGHEST)
        cnt[...] += lax.dot_general(onehot, jnp.ones((BLK, D), jnp.float32),
                                    dn, preferred_element_type=jnp.float32,
                                    precision=lax.Precision.HIGHEST)

        @pl.when(i == nblk - 1)
        def _fin():
            out_ref[...] = acc[...] / jnp.maximum(cnt[...], 1.0)

    return pl.pallas_call(
        body,
        grid=(nblk,),
        in_specs=[
            pl.BlockSpec((NC, BLK, D), lambda i: (0, i, 0)),
            pl.BlockSpec((BLK, D), lambda i: (i, 0)),
            pl.BlockSpec((NC, BLK, D), lambda i: (0, i, 0)),
            pl.BlockSpec((1, D), lambda i: (0, 0)),
            pl.BlockSpec((BLK, 1), lambda i: (i, 0)),
        ],
        out_specs=pl.BlockSpec((G, D), lambda i: (0, 0)),
        out_shape=jax.ShapeDtypeStruct((G, D), jnp.float32),
        scratch_shapes=[
            pltpu.VMEM((G, D), jnp.float32),
            pltpu.VMEM((G, D), jnp.float32),
        ],
    )(aggpair, hp, degacc, b, bidx)



def kernel(node_features, edge_index, batch_index, W1, b1, W2, b2):
    n = node_features.shape[0]
    e = edge_index.shape[1]
    np_, ep = _pad_sizes(n, e)
    nchunk = ep // (NW * CHUNK)

    pad_idx = jnp.full((ep - e,), n, jnp.int32)
    src = jnp.concatenate([edge_index[0], pad_idx])
    dst = jnp.concatenate([edge_index[1], pad_idx])
    sd = jnp.stack([src.reshape(-1, NST, EBS), dst.reshape(-1, NST, EBS)], axis=2)
    xp = jnp.concatenate(
        [node_features, jnp.zeros((np_ - n, D), jnp.float32)])
    bidx = jnp.concatenate(
        [batch_index, jnp.full((np_ - n,), G, jnp.int32)]).reshape(np_, 1)
    zeros_nd = jnp.zeros((np_, D), jnp.float32)
    ones_eb = jnp.ones((EBS, D), jnp.float32)

    deg_k = _deg_kernel(np_, nchunk)
    agg_k = _agg_kernel(np_, nchunk)

    degacc = deg_k(sd, ones_eb, zeros_nd)
    h1p = _scale_matmul_call(np_, xp, W1, degacc)
    agg1 = agg_k(h1p, sd, zeros_nd)
    h2p = _mid_layer_call(np_, agg1, h1p, degacc, b1.reshape(1, D), W2)
    agg2 = agg_k(h2p, sd, zeros_nd)
    return _final_pool_call(np_, agg2, h2p, degacc, b2.reshape(1, D), bidx)

# --- scband reference (transcript-rebuilt; emitter-appended) ---
"""Pipeline reference for scband-knowledge-graph-gnn-41489384080024 (READ-ONLY COPY).

The authoritative reference and input builder live on the scoring server;
editing this copy changes nothing except your own understanding.
"""

import jax, jax.numpy as jnp
import numpy as np

N = 10000
E = 320000
D_IN = 128
D_HID = 128
D_OUT = 128
NUM_GRAPHS = 16


def setup_inputs(seed: int = 0) -> dict:
    key = jax.random.key(seed)
    ks = jax.random.split(key, 8)
    node_features = jax.random.normal(ks[0], (N, D_IN), dtype=jnp.float32)
    edge_index = jax.random.randint(ks[1], (2, E), 0, N, dtype=jnp.int32)
    batch_index = jnp.sort(jax.random.randint(ks[2], (N,), 0, NUM_GRAPHS, dtype=jnp.int32))
    W1 = jax.random.normal(ks[3], (D_IN, D_HID), dtype=jnp.float32) * (1.0 / np.sqrt(D_IN))
    b1 = jnp.zeros((D_HID,), dtype=jnp.float32)
    W2 = jax.random.normal(ks[4], (D_HID, D_OUT), dtype=jnp.float32) * (1.0 / np.sqrt(D_HID))
    b2 = jnp.zeros((D_OUT,), dtype=jnp.float32)
    return {
        "node_features": node_features,
        "edge_index": edge_index,
        "batch_index": batch_index,
        "W1": W1,
        "b1": b1,
        "W2": W2,
        "b2": b2,
    }


def gcn_conv(x, edge_index, W, b):
    # Faithful GCNConv: add self-loops, symmetric deg normalization, x @ W, scatter-add, bias.
    num_nodes = x.shape[0]
    loop = jnp.arange(num_nodes, dtype=edge_index.dtype)
    src = jnp.concatenate([edge_index[0], loop])
    dst = jnp.concatenate([edge_index[1], loop])
    deg = jnp.zeros((num_nodes,), dtype=x.dtype).at[dst].add(1.0)
    deg_inv_sqrt = jnp.where(deg > 0, jax.lax.rsqrt(jnp.maximum(deg, 1e-12)), 0.0)
    norm = deg_inv_sqrt[src] * deg_inv_sqrt[dst]
    h = x @ W
    msg = h[src] * norm[:, None]
    out = jnp.zeros((num_nodes, W.shape[1]), dtype=x.dtype).at[dst].add(msg)
    return out + b


def global_mean_pool(x, batch_index, num_graphs):
    sums = jax.ops.segment_sum(x, batch_index, num_segments=num_graphs)
    counts = jax.ops.segment_sum(jnp.ones((x.shape[0], 1), dtype=x.dtype), batch_index, num_segments=num_graphs)
    return sums / jnp.maximum(counts, 1.0)


def reference(node_features, edge_index, batch_index, W1, b1, W2, b2):
    x = jax.nn.relu(gcn_conv(node_features, edge_index, W1, b1))
    # dropout p=0.5 is identity in eval mode
    x = jax.nn.relu(gcn_conv(x, edge_index, W2, b2))
    x = global_mean_pool(x, batch_index, NUM_GRAPHS)
    return x

if __name__ == "__main__":
    import jax
    _d = setup_inputs()
    print(jax.jit(kernel)(*tuple(_d.values())))

</pallas_src>

<mosaic_0001>
#map = affine_map<(d0, d1) -> (0, 0)>
#map1 = affine_map<(d0, d1) -> (0, 0, 0, 0)>
#map2 = affine_map<(d0, d1) -> (0, 0, 0)>
module attributes {stable_mosaic.version = 14 : i64} {
  func.func @k(%arg0: i32, %arg1: i32, %arg2: memref<10240x128xf32, #tpu.memory_space<hbm>>, %arg3: memref<1280x4x2x64xi32, #tpu.memory_space<hbm>>, %arg4: memref<10240x128xf32, #tpu.memory_space<hbm>>, %arg5: memref<2x10240x128xf32, #tpu.memory_space<hbm>>, %arg6: memref<4x2x64xi32, #tpu.memory_space<vmem>>, %arg7: memref<64x128xf32, #tpu.memory_space<vmem>>, %arg8: memref<64x128xf32, #tpu.memory_space<vmem>>, %arg9: memref<64x128xf32, #tpu.memory_space<vmem>>, %arg10: memref<64x128xf32, #tpu.memory_space<vmem>>, %arg11: memref<!tpu.dma_semaphore, #tpu.memory_space<semaphore_mem>>, %arg12: memref<!tpu.dma_semaphore, #tpu.memory_space<semaphore_mem>>, %arg13: memref<!tpu.dma_semaphore, #tpu.memory_space<semaphore_mem>>, %arg14: memref<!tpu.dma_semaphore, #tpu.memory_space<semaphore_mem>>, %arg15: memref<!tpu.dma_semaphore, #tpu.memory_space<semaphore_mem>>, %arg16: memref<!tpu.dma_semaphore, #tpu.memory_space<semaphore_mem>>, %arg17: memref<!tpu.dma_semaphore, #tpu.memory_space<semaphore_mem>>, %arg18: memref<!tpu.dma_semaphore, #tpu.memory_space<semaphore_mem>>, %arg19: memref<10240x128xf32, #tpu.memory_space<vmem_shared>>) attributes {dimension_semantics = [#tpu.dimension_semantics<core_parallel>, #tpu.dimension_semantics<subcore_parallel>], iteration_bounds = array<i64: 2, 16>, scalar_prefetch = 0 : i64, scratch_operands = 14 : i64, tpu.core_type = #tpu.core_type<sc_vector_subcore>, window_params = [{transform_indices = #map}, {transform_indices = #map1}, {transform_indices = #map}, {transform_indices = #map2}]} {
    %mul3A = arith.constant 2 : i32
    %mul3A_0 = arith.muli %arg1, %mul3A : i32
    %add3A = arith.addi %mul3A_0, %arg0 : i32
    %mul3A_1 = arith.constant 640 : i32
    %mul3A_2 = arith.muli %arg1, %mul3A_1 : i32
    %mul3A_3 = arith.constant 640 : i32
    %mul3A_4 = arith.muli %arg1, %mul3A_3 : i32
    "tpu.region"() ({
      %run_scoped3A = tpu.sem_alloc : memref<!tpu.dma_semaphore, #tpu.memory_space<semaphore_mem>>
      %dma_start3A = arith.constant 0 : i32
      %dma_start3A_17 = tpu.memref_slice %arg19[%mul3A_4, %dma_start3A] : memref<10240x128xf32, #tpu.memory_space<vmem_shared>> -> memref<640x128xf32, #tpu.memory_space<vmem_shared>>
      %dma_start3A_18 = arith.constant 0 : i32
      %dma_start3A_19 = tpu.memref_slice %arg4[%mul3A_2, %dma_start3A_18] : memref<10240x128xf32, #tpu.memory_space<hbm>> -> memref<640x128xf32, #tpu.memory_space<hbm>>
      tpu.enqueue_dma source(%dma_start3A_19 : memref<640x128xf32, #tpu.memory_space<hbm>>) target(%dma_start3A_17 : memref<640x128xf32, #tpu.memory_space<vmem_shared>>) target_semaphore(%run_scoped3A : memref<!tpu.dma_semaphore, #tpu.memory_space<semaphore_mem>>)
      %dma_wait3A = arith.constant 0 : i32
      %dma_wait3A_20 = tpu.memref_slice %arg19[%mul3A_4, %dma_wait3A] : memref<10240x128xf32, #tpu.memory_space<vmem_shared>> -> memref<640x128xf32, #tpu.memory_space<vmem_shared>>
      %dma_wait3A_21 = arith.constant 0 : i32
      %dma_wait3A_22 = tpu.memref_slice %arg4[%mul3A_2, %dma_wait3A_21] : memref<10240x128xf32, #tpu.memory_space<hbm>> -> memref<640x128xf32, #tpu.memory_space<hbm>>
      tpu.wait_dma2 semaphore(%run_scoped3A : memref<!tpu.dma_semaphore, #tpu.memory_space<semaphore_mem>>) src(%dma_wait3A_22 : memref<640x128xf32, #tpu.memory_space<hbm>>) dst(%dma_wait3A_20 : memref<640x128xf32, #tpu.memory_space<vmem_shared>>)
      tpu.yield
    }) : () -> ()
    %barrier3A = arith.constant 0 : index
    tpu.barrier barrier_id(%barrier3A)
    %mul3A_5 = arith.constant 40 : i32
    %mul3A_6 = arith.muli %add3A, %mul3A_5 : i32
    %scan3A = arith.constant 0 : i32
    %scan3A_7 = arith.constant 0 : i32
    %scan3A_8 = arith.constant 40 : i32
    %scan3A_9 = arith.addi %scan3A_7, %scan3A_8 : i32
    %scan3A_10 = arith.constant 1 : i32
    scf.for %scan3A_17 = %scan3A_7 to %scan3A_9 step %scan3A_10  : i32 {
      %add3A_18 = arith.addi %mul3A_6, %scan3A_17 : i32
      "tpu.region"() ({
        %run_scoped3A = tpu.sem_alloc : memref<!tpu.dma_semaphore, #tpu.memory_space<semaphore_mem>>
        %dma_start3A_145 = arith.constant 0 : i32
        %dma_start3A_146 = arith.constant 0 : i32
        %dma_start3A_147 = arith.constant 0 : i32
        %dma_start3A_148 = tpu.memref_slice %arg3[%add3A_18, %dma_start3A_145, %dma_start3A_146, %dma_start3A_147] : memref<1280x4x2x64xi32, #tpu.memory_space<hbm>> -> memref<1x4x2x64xi32, #tpu.memory_space<hbm>>
        %dma_start3A_149 = tpu.memref_squeeze %dma_start3A_148 : memref<1x4x2x64xi32, #tpu.memory_space<hbm>> -> memref<4x2x64xi32, #tpu.memory_space<hbm>>
        %dma_start3A_150 = arith.constant 0 : i32
        %dma_start3A_151 = arith.constant 0 : i32
        %dma_start3A_152 = arith.constant 0 : i32
        %dma_start3A_153 = tpu.memref_slice %arg3[%add3A_18, %dma_start3A_150, %dma_start3A_151, %dma_start3A_152] : memref<1280x4x2x64xi32, #tpu.memory_space<hbm>> -> memref<1x4x2x64xi32, #tpu.memory_space<hbm>>
        %dma_start3A_154 = tpu.memref_squeeze %dma_start3A_153 : memref<1x4x2x64xi32, #tpu.memory_space<hbm>> -> memref<4x2x64xi32, #tpu.memory_space<hbm>>
        tpu.enqueue_dma source(%dma_start3A_154 : memref<4x2x64xi32, #tpu.memory_space<hbm>>) target(%arg6 : memref<4x2x64xi32, #tpu.memory_space<vmem>>) target_semaphore(%run_scoped3A : memref<!tpu.dma_semaphore, #tpu.memory_space<semaphore_mem>>)
        %dma_wait3A_155 = arith.constant 0 : i32
        %dma_wait3A_156 = arith.constant 0 : i32
        %dma_wait3A_157 = arith.constant 0 : i32
        %dma_wait3A_158 = tpu.memref_slice %arg3[%add3A_18, %dma_wait3A_155, %dma_wait3A_156, %dma_wait3A_157] : memref<1280x4x2x64xi32, #tpu.memory_space<hbm>> -> memref<1x4x2x64xi32, #tpu.memory_space<hbm>>
        %dma_wait3A_159 = tpu.memref_squeeze %dma_wait3A_158 : memref<1x4x2x64xi32, #tpu.memory_space<hbm>> -> memref<4x2x64xi32, #tpu.memory_space<hbm>>
        %dma_wait3A_160 = arith.constant 0 : i32
        %dma_wait3A_161 = arith.constant 0 : i32
        %dma_wait3A_162 = arith.constant 0 : i32
        %dma_wait3A_163 = tpu.memref_slice %arg3[%add3A_18, %dma_wait3A_160, %dma_wait3A_161, %dma_wait3A_162] : memref<1280x4x2x64xi32, #tpu.memory_space<hbm>> -> memref<1x4x2x64xi32, #tpu.memory_space<hbm>>
        %dma_wait3A_164 = tpu.memref_squeeze %dma_wait3A_163 : memref<1x4x2x64xi32, #tpu.memory_space<hbm>> -> memref<4x2x64xi32, #tpu.memory_space<hbm>>
        tpu.wait_dma2 semaphore(%run_scoped3A : memref<!tpu.dma_semaphore, #tpu.memory_space<semaphore_mem>>) src(%dma_wait3A_164 : memref<4x2x64xi32, #tpu.memory_space<hbm>>) dst(%arg6 : memref<4x2x64xi32, #tpu.memory_space<vmem>>)
        tpu.yield
      }) : () -> ()
      %dma_start3A = arith.constant 0 : i32
      %dma_start3A_19 = arith.constant 0 : i32
      %dma_start3A_20 = arith.constant 0 : i32
      %dma_start3A_21 = tpu.memref_slice %arg6[%dma_start3A, %dma_start3A_19, %dma_start3A_20] : memref<4x2x64xi32, #tpu.memory_space<vmem>> -> memref<1x1x64xi32, #tpu.memory_space<vmem>>
      %dma_start3A_22 = tpu.memref_squeeze %dma_start3A_21 : memref<1x1x64xi32, #tpu.memory_space<vmem>> -> memref<64xi32, #tpu.memory_space<vmem>>
      %dma_start3A_23 = arith.constant 0 : i32
      %dma_start3A_24 = arith.constant 0 : i32
      %dma_start3A_25 = tpu.memref_slice %arg2[%dma_start3A_23, %dma_start3A_24] : memref<10240x128xf32, #tpu.memory_space<hbm>> -> memref<10240x128xf32, #tpu.memory_space<hbm>>
      tpu.enqueue_indirect_dma source(%dma_start3A_25 : memref<10240x128xf32, #tpu.memory_space<hbm>>) target(%arg7 : memref<64x128xf32, #tpu.memory_space<vmem>>) offsets(%dma_start3A_22 : memref<64xi32, #tpu.memory_space<vmem>>) semaphore(%arg11 : memref<!tpu.dma_semaphore, #tpu.memory_space<semaphore_mem>>)
      %dma_start3A_26 = arith.constant 1 : i32
      %dma_start3A_27 = arith.constant 0 : i32
      %dma_start3A_28 = arith.constant 0 : i32
      %dma_start3A_29 = tpu.memref_slice %arg6[%dma_start3A_26, %dma_start3A_27, %dma_start3A_28] : memref<4x2x64xi32, #tpu.memory_space<vmem>> -> memref<1x1x64xi32, #tpu.memory_space<vmem>>
      %dma_start3A_30 = tpu.memref_squeeze %dma_start3A_29 : memref<1x1x64xi32, #tpu.memory_space<vmem>> -> memref<64xi32, #tpu.memory_space<vmem>>
      %dma_start3A_31 = arith.constant 0 : i32
      %dma_start3A_32 = arith.constant 0 : i32
      %dma_start3A_33 = tpu.memref_slice %arg2[%dma_start3A_31, %dma_start3A_32] : memref<10240x128xf32, #tpu.memory_space<hbm>> -> memref<10240x128xf32, #tpu.memory_space<hbm>>
      tpu.enqueue_indirect_dma source(%dma_start3A_33 : memref<10240x128xf32, #tpu.memory_space<hbm>>) target(%arg8 : memref<64x128xf32, #tpu.memory_space<vmem>>) offsets(%dma_start3A_30 : memref<64xi32, #tpu.memory_space<vmem>>) semaphore(%arg12 : memref<!tpu.dma_semaphore, #tpu.memory_space<semaphore_mem>>)
      %dma_start3A_34 = arith.constant 2 : i32
      %dma_start3A_35 = arith.constant 0 : i32
      %dma_start3A_36 = arith.constant 0 : i32
      %dma_start3A_37 = tpu.memref_slice %arg6[%dma_start3A_34, %dma_start3A_35, %dma_start3A_36] : memref<4x2x64xi32, #tpu.memory_space<vmem>> -> memref<1x1x64xi32, #tpu.memory_space<vmem>>
      %dma_start3A_38 = tpu.memref_squeeze %dma_start3A_37 : memref<1x1x64xi32, #tpu.memory_space<vmem>> -> memref<64xi32, #tpu.memory_space<vmem>>
      %dma_start3A_39 = arith.constant 0 : i32
      %dma_start3A_40 = arith.constant 0 : i32
      %dma_start3A_41 = tpu.memref_slice %arg2[%dma_start3A_39, %dma_start3A_40] : memref<10240x128xf32, #tpu.memory_space<hbm>> -> memref<10240x128xf32, #tpu.memory_space<hbm>>
      tpu.enqueue_indirect_dma source(%dma_start3A_41 : memref<10240x128xf32, #tpu.memory_space<hbm>>) target(%arg9 : memref<64x128xf32, #tpu.memory_space<vmem>>) offsets(%dma_start3A_38 : memref<64xi32, #tpu.memory_space<vmem>>) semaphore(%arg13 : memref<!tpu.dma_semaphore, #tpu.memory_space<semaphore_mem>>)
      %dma_start3A_42 = arith.constant 3 : i32
      %dma_start3A_43 = arith.constant 0 : i32
      %dma_start3A_44 = arith.constant 0 : i32
      %dma_start3A_45 = tpu.memref_slice %arg6[%dma_start3A_42, %dma_start3A_43, %dma_start3A_44] : memref<4x2x64xi32, #tpu.memory_space<vmem>> -> memref<1x1x64xi32, #tpu.memory_space<vmem>>
      %dma_start3A_46 = tpu.memref_squeeze %dma_start3A_45 : memref<1x1x64xi32, #tpu.memory_space<vmem>> -> memref<64xi32, #tpu.memory_space<vmem>>
      %dma_start3A_47 = arith.constant 0 : i32
      %dma_start3A_48 = arith.constant 0 : i32
      %dma_start3A_49 = tpu.memref_slice %arg2[%dma_start3A_47, %dma_start3A_48] : memref<10240x128xf32, #tpu.memory_space<hbm>> -> memref<10240x128xf32, #tpu.memory_space<hbm>>
      tpu.enqueue_indirect_dma source(%dma_start3A_49 : memref<10240x128xf32, #tpu.memory_space<hbm>>) target(%arg10 : memref<64x128xf32, #tpu.memory_space<vmem>>) offsets(%dma_start3A_46 : memref<64xi32, #tpu.memory_space<vmem>>) semaphore(%arg14 : memref<!tpu.dma_semaphore, #tpu.memory_space<semaphore_mem>>)
      %dma_wait3A = arith.constant 0 : i32
      %dma_wait3A_50 = arith.constant 0 : i32
      %dma_wait3A_51 = arith.constant 0 : i32
      %dma_wait3A_52 = tpu.memref_slice %arg6[%dma_wait3A, %dma_wait3A_50, %dma_wait3A_51] : memref<4x2x64xi32, #tpu.memory_space<vmem>> -> memref<1x1x64xi32, #tpu.memory_space<vmem>>
      %dma_wait3A_53 = tpu.memref_squeeze %dma_wait3A_52 : memref<1x1x64xi32, #tpu.memory_space<vmem>> -> memref<64xi32, #tpu.memory_space<vmem>>
      %dma_wait3A_54 = arith.constant 0 : i32
      %dma_wait3A_55 = arith.constant 0 : i32
      %dma_wait3A_56 = tpu.memref_slice %arg2[%dma_wait3A_54, %dma_wait3A_55] : memref<10240x128xf32, #tpu.memory_space<hbm>> -> memref<10240x128xf32, #tpu.memory_space<hbm>>
      tpu.wait_indirect_dma semaphore(%arg11 : memref<!tpu.dma_semaphore, #tpu.memory_space<semaphore_mem>>) src(%dma_wait3A_56 : memref<10240x128xf32, #tpu.memory_space<hbm>>) dst(%arg7 : memref<64x128xf32, #tpu.memory_space<vmem>>)
      %dma_start3A_57 = arith.constant 0 : i32
      %dma_start3A_58 = arith.constant 1 : i32
      %dma_start3A_59 = arith.constant 0 : i32
      %dma_start3A_60 = tpu.memref_slice %arg6[%dma_start3A_57, %dma_start3A_58, %dma_start3A_59] : memref<4x2x64xi32, #tpu.memory_space<vmem>> -> memref<1x1x64xi32, #tpu.memory_space<vmem>>
      %dma_start3A_61 = tpu.memref_squeeze %dma_start3A_60 : memref<1x1x64xi32, #tpu.memory_space<vmem>> -> memref<64xi32, #tpu.memory_space<vmem>>
      %dma_start3A_62 = arith.constant 0 : i32
      %dma_start3A_63 = arith.constant 0 : i32
      %dma_start3A_64 = tpu.memref_slice %arg19[%dma_start3A_62, %dma_start3A_63] : memref<10240x128xf32, #tpu.memory_space<vmem_shared>> -> memref<10240x128xf32, #tpu.memory_space<vmem_shared>>
      tpu.enqueue_indirect_dma source(%arg7 : memref<64x128xf32, #tpu.memory_space<vmem>>) target(%dma_start3A_64 : memref<10240x128xf32, #tpu.memory_space<vmem_shared>>) offsets(%dma_start3A_61 : memref<64xi32, #tpu.memory_space<vmem>>) semaphore(%arg15 : memref<!tpu.dma_semaphore, #tpu.memory_space<semaphore_mem>>) {add = true}
      %dma_wait3A_65 = arith.constant 1 : i32
      %dma_wait3A_66 = arith.constant 0 : i32
      %dma_wait3A_67 = arith.constant 0 : i32
      %dma_wait3A_68 = tpu.memref_slice %arg6[%dma_wait3A_65, %dma_wait3A_66, %dma_wait3A_67] : memref<4x2x64xi32, #tpu.memory_space<vmem>> -> memref<1x1x64xi32, #tpu.memory_space<vmem>>
      %dma_wait3A_69 = tpu.memref_squeeze %dma_wait3A_68 : memref<1x1x64xi32, #tpu.memory_space<vmem>> -> memref<64xi32, #tpu.memory_space<vmem>>
      %dma_wait3A_70 = arith.constant 0 : i32
      %dma_wait3A_71 = arith.constant 0 : i32
      %dma_wait3A_72 = tpu.memref_slice %arg2[%dma_wait3A_70, %dma_wait3A_71] : memref<10240x128xf32, #tpu.memory_space<hbm>> -> memref<10240x128xf32, #tpu.memory_space<hbm>>
      tpu.wait_indirect_dma semaphore(%arg12 : memref<!tpu.dma_semaphore, #tpu.memory_space<semaphore_mem>>) src(%dma_wait3A_72 : memref<10240x128xf32, #tpu.memory_space<hbm>>) dst(%arg8 : memref<64x128xf32, #tpu.memory_space<vmem>>)
      %dma_start3A_73 = arith.constant 1 : i32
      %dma_start3A_74 = arith.constant 1 : i32
      %dma_start3A_75 = arith.constant 0 : i32
      %dma_start3A_76 = tpu.memref_slice %arg6[%dma_start3A_73, %dma_start3A_74, %dma_start3A_75] : memref<4x2x64xi32, #tpu.memory_space<vmem>> -> memref<1x1x64xi32, #tpu.memory_space<vmem>>
      %dma_start3A_77 = tpu.memref_squeeze %dma_start3A_76 : memref<1x1x64xi32, #tpu.memory_space<vmem>> -> memref<64xi32, #tpu.memory_space<vmem>>
      %dma_start3A_78 = arith.constant 0 : i32
      %dma_start3A_79 = arith.constant 0 : i32
      %dma_start3A_80 = tpu.memref_slice %arg19[%dma_start3A_78, %dma_start3A_79] : memref<10240x128xf32, #tpu.memory_space<vmem_shared>> -> memref<10240x128xf32, #tpu.memory_space<vmem_shared>>
      tpu.enqueue_indirect_dma source(%arg8 : memref<64x128xf32, #tpu.memory_space<vmem>>) target(%dma_start3A_80 : memref<10240x128xf32, #tpu.memory_space<vmem_shared>>) offsets(%dma_start3A_77 : memref<64xi32, #tpu.memory_space<vmem>>) semaphore(%arg16 : memref<!tpu.dma_semaphore, #tpu.memory_space<semaphore_mem>>) {add = true}
      %dma_wait3A_81 = arith.constant 2 : i32
      %dma_wait3A_82 = arith.constant 0 : i32
      %dma_wait3A_83 = arith.constant 0 : i32
      %dma_wait3A_84 = tpu.memref_slice %arg6[%dma_wait3A_81, %dma_wait3A_82, %dma_wait3A_83] : memref<4x2x64xi32, #tpu.memory_space<vmem>> -> memref<1x1x64xi32, #tpu.memory_space<vmem>>
      %dma_wait3A_85 = tpu.memref_squeeze %dma_wait3A_84 : memref<1x1x64xi32, #tpu.memory_space<vmem>> -> memref<64xi32, #tpu.memory_space<vmem>>
      %dma_wait3A_86 = arith.constant 0 : i32
      %dma_wait3A_87 = arith.constant 0 : i32
      %dma_wait3A_88 = tpu.memref_slice %arg2[%dma_wait3A_86, %dma_wait3A_87] : memref<10240x128xf32, #tpu.memory_space<hbm>> -> memref<10240x128xf32, #tpu.memory_space<hbm>>
      tpu.wait_indirect_dma semaphore(%arg13 : memref<!tpu.dma_semaphore, #tpu.memory_space<semaphore_mem>>) src(%dma_wait3A_88 : memref<10240x128xf32, #tpu.memory_space<hbm>>) dst(%arg9 : memref<64x128xf32, #tpu.memory_space<vmem>>)
      %dma_start3A_89 = arith.constant 2 : i32
      %dma_start3A_90 = arith.constant 1 : i32
      %dma_start3A_91 = arith.constant 0 : i32
      %dma_start3A_92 = tpu.memref_slice %arg6[%dma_start3A_89, %dma_start3A_90, %dma_start3A_91] : memref<4x2x64xi32, #tpu.memory_space<vmem>> -> memref<1x1x64xi32, #tpu.memory_space<vmem>>
      %dma_start3A_93 = tpu.memref_squeeze %dma_start3A_92 : memref<1x1x64xi32, #tpu.memory_space<vmem>> -> memref<64xi32, #tpu.memory_space<vmem>>
      %dma_start3A_94 = arith.constant 0 : i32
      %dma_start3A_95 = arith.constant 0 : i32
      %dma_start3A_96 = tpu.memref_slice %arg19[%dma_start3A_94, %dma_start3A_95] : memref<10240x128xf32, #tpu.memory_space<vmem_shared>> -> memref<10240x128xf32, #tpu.memory_space<vmem_shared>>
      tpu.enqueue_indirect_dma source(%arg9 : memref<64x128xf32, #tpu.memory_space<vmem>>) target(%dma_start3A_96 : memref<10240x128xf32, #tpu.memory_space<vmem_shared>>) offsets(%dma_start3A_93 : memref<64xi32, #tpu.memory_space<vmem>>) semaphore(%arg17 : memref<!tpu.dma_semaphore, #tpu.memory_space<semaphore_mem>>) {add = true}
      %dma_wait3A_97 = arith.constant 3 : i32
      %dma_wait3A_98 = arith.constant 0 : i32
      %dma_wait3A_99 = arith.constant 0 : i32
      %dma_wait3A_100 = tpu.memref_slice %arg6[%dma_wait3A_97, %dma_wait3A_98, %dma_wait3A_99] : memref<4x2x64xi32, #tpu.memory_space<vmem>> -> memref<1x1x64xi32, #tpu.memory_space<vmem>>
      %dma_wait3A_101 = tpu.memref_squeeze %dma_wait3A_100 : memref<1x1x64xi32, #tpu.memory_space<vmem>> -> memref<64xi32, #tpu.memory_space<vmem>>
      %dma_wait3A_102 = arith.constant 0 : i32
      %dma_wait3A_103 = arith.constant 0 : i32
      %dma_wait3A_104 = tpu.memref_slice %arg2[%dma_wait3A_102, %dma_wait3A_103] : memref<10240x128xf32, #tpu.memory_space<hbm>> -> memref<10240x128xf32, #tpu.memory_space<hbm>>
      tpu.wait_indirect_dma semaphore(%arg14 : memref<!tpu.dma_semaphore, #tpu.memory_space<semaphore_mem>>) src(%dma_wait3A_104 : memref<10240x128xf32, #tpu.memory_space<hbm>>) dst(%arg10 : memref<64x128xf32, #tpu.memory_space<vmem>>)
      %dma_start3A_105 = arith.constant 3 : i32
      %dma_start3A_106 = arith.constant 1 : i32
      %dma_start3A_107 = arith.constant 0 : i32
      %dma_start3A_108 = tpu.memref_slice %arg6[%dma_start3A_105, %dma_start3A_106, %dma_start3A_107] : memref<4x2x64xi32, #tpu.memory_space<vmem>> -> memref<1x1x64xi32, #tpu.memory_space<vmem>>
      %dma_start3A_109 = tpu.memref_squeeze %dma_start3A_108 : memref<1x1x64xi32, #tpu.memory_space<vmem>> -> memref<64xi32, #tpu.memory_space<vmem>>
      %dma_start3A_110 = arith.constant 0 : i32
      %dma_start3A_111 = arith.constant 0 : i32
      %dma_start3A_112 = tpu.memref_slice %arg19[%dma_start3A_110, %dma_start3A_111] : memref<10240x128xf32, #tpu.memory_space<vmem_shared>> -> memref<10240x128xf32, #tpu.memory_space<vmem_shared>>
      tpu.enqueue_indirect_dma source(%arg10 : memref<64x128xf32, #tpu.memory_space<vmem>>) target(%dma_start3A_112 : memref<10240x128xf32, #tpu.memory_space<vmem_shared>>) offsets(%dma_start3A_109 : memref<64xi32, #tpu.memory_space<vmem>>) semaphore(%arg18 : memref<!tpu.dma_semaphore, #tpu.memory_space<semaphore_mem>>) {add = true}
      %dma_wait3A_113 = arith.constant 0 : i32
      %dma_wait3A_114 = arith.constant 1 : i32
      %dma_wait3A_115 = arith.constant 0 : i32
      %dma_wait3A_116 = tpu.memref_slice %arg6[%dma_wait3A_113, %dma_wait3A_114, %dma_wait3A_115] : memref<4x2x64xi32, #tpu.memory_space<vmem>> -> memref<1x1x64xi32, #tpu.memory_space<vmem>>
      %dma_wait3A_117 = tpu.memref_squeeze %dma_wait3A_116 : memref<1x1x64xi32, #tpu.memory_space<vmem>> -> memref<64xi32, #tpu.memory_space<vmem>>
      %dma_wait3A_118 = arith.constant 0 : i32
      %dma_wait3A_119 = arith.constant 0 : i32
      %dma_wait3A_120 = tpu.memref_slice %arg19[%dma_wait3A_118, %dma_wait3A_119] : memref<10240x128xf32, #tpu.memory_space<vmem_shared>> -> memref<10240x128xf32, #tpu.memory_space<vmem_shared>>
      tpu.wait_indirect_dma semaphore(%arg15 : memref<!tpu.dma_semaphore, #tpu.memory_space<semaphore_mem>>) src(%arg7 : memref<64x128xf32, #tpu.memory_space<vmem>>) dst(%dma_wait3A_120 : memref<10240x128xf32, #tpu.memory_space<vmem_shared>>)
      %dma_wait3A_121 = arith.constant 1 : i32
      %dma_wait3A_122 = arith.constant 1 : i32
      %dma_wait3A_123 = arith.constant 0 : i32
      %dma_wait3A_124 = tpu.memref_slice %arg6[%dma_wait3A_121, %dma_wait3A_122, %dma_wait3A_123] : memref<4x2x64xi32, #tpu.memory_space<vmem>> -> memref<1x1x64xi32, #tpu.memory_space<vmem>>
      %dma_wait3A_125 = tpu.memref_squeeze %dma_wait3A_124 : memref<1x1x64xi32, #tpu.memory_space<vmem>> -> memref<64xi32, #tpu.memory_space<vmem>>
      %dma_wait3A_126 = arith.constant 0 : i32
      %dma_wait3A_127 = arith.constant 0 : i32
      %dma_wait3A_128 = tpu.memref_slice %arg19[%dma_wait3A_126, %dma_wait3A_127] : memref<10240x128xf32, #tpu.memory_space<vmem_shared>> -> memref<10240x128xf32, #tpu.memory_space<vmem_shared>>
      tpu.wait_indirect_dma semaphore(%arg16 : memref<!tpu.dma_semaphore, #tpu.memory_space<semaphore_mem>>) src(%arg8 : memref<64x128xf32, #tpu.memory_space<vmem>>) dst(%dma_wait3A_128 : memref<10240x128xf32, #tpu.memory_space<vmem_shared>>)
      %dma_wait3A_129 = arith.constant 2 : i32
      %dma_wait3A_130 = arith.constant 1 : i32
      %dma_wait3A_131 = arith.constant 0 : i32
      %dma_wait3A_132 = tpu.memref_slice %arg6[%dma_wait3A_129, %dma_wait3A_130, %dma_wait3A_131] : memref<4x2x64xi32, #tpu.memory_space<vmem>> -> memref<1x1x64xi32, #tpu.memory_space<vmem>>
      %dma_wait3A_133 = tpu.memref_squeeze %dma_wait3A_132 : memref<1x1x64xi32, #tpu.memory_space<vmem>> -> memref<64xi32, #tpu.memory_space<vmem>>
      %dma_wait3A_134 = arith.constant 0 : i32
      %dma_wait3A_135 = arith.constant 0 : i32
      %dma_wait3A_136 = tpu.memref_slice %arg19[%dma_wait3A_134, %dma_wait3A_135] : memref<10240x128xf32, #tpu.memory_space<vmem_shared>> -> memref<10240x128xf32, #tpu.memory_space<vmem_shared>>
      tpu.wait_indirect_dma semaphore(%arg17 : memref<!tpu.dma_semaphore, #tpu.memory_space<semaphore_mem>>) src(%arg9 : memref<64x128xf32, #tpu.memory_space<vmem>>) dst(%dma_wait3A_136 : memref<10240x128xf32, #tpu.memory_space<vmem_shared>>)
      %dma_wait3A_137 = arith.constant 3 : i32
      %dma_wait3A_138 = arith.constant 1 : i32
      %dma_wait3A_139 = arith.constant 0 : i32
      %dma_wait3A_140 = tpu.memref_slice %arg6[%dma_wait3A_137, %dma_wait3A_138, %dma_wait3A_139] : memref<4x2x64xi32, #tpu.memory_space<vmem>> -> memref<1x1x64xi32, #tpu.memory_space<vmem>>
      %dma_wait3A_141 = tpu.memref_squeeze %dma_wait3A_140 : memref<1x1x64xi32, #tpu.memory_space<vmem>> -> memref<64xi32, #tpu.memory_space<vmem>>
      %dma_wait3A_142 = arith.constant 0 : i32
      %dma_wait3A_143 = arith.constant 0 : i32
      %dma_wait3A_144 = tpu.memref_slice %arg19[%dma_wait3A_142, %dma_wait3A_143] : memref<10240x128xf32, #tpu.memory_space<vmem_shared>> -> memref<10240x128xf32, #tpu.memory_space<vmem_shared>>
      tpu.wait_indirect_dma semaphore(%arg18 : memref<!tpu.dma_semaphore, #tpu.memory_space<semaphore_mem>>) src(%arg10 : memref<64x128xf32, #tpu.memory_space<vmem>>) dst(%dma_wait3A_144 : memref<10240x128xf32, #tpu.memory_space<vmem_shared>>)
    }
    %scan3A_11 = arith.constant 40 : i32
    %barrier3A_12 = arith.constant 0 : index
    tpu.barrier barrier_id(%barrier3A_12)
    %mul3A_13 = arith.constant 640 : i32
    %mul3A_14 = arith.muli %arg1, %mul3A_13 : i32
    %mul3A_15 = arith.constant 640 : i32
    %mul3A_16 = arith.muli %arg1, %mul3A_15 : i32
    "tpu.region"() ({
      %run_scoped3A = tpu.sem_alloc : memref<!tpu.dma_semaphore, #tpu.memory_space<semaphore_mem>>
      %dma_start3A = arith.constant 0 : i32
      %dma_start3A_17 = tpu.memref_slice %arg5[%arg0, %mul3A_16, %dma_start3A] : memref<2x10240x128xf32, #tpu.memory_space<hbm>> -> memref<1x640x128xf32, #tpu.memory_space<hbm>>
      %dma_start3A_18 = tpu.memref_squeeze %dma_start3A_17 : memref<1x640x128xf32, #tpu.memory_space<hbm>> -> memref<640x128xf32, #tpu.memory_space<hbm>>
      %dma_start3A_19 = arith.constant 0 : i32
      %dma_start3A_20 = tpu.memref_slice %arg19[%mul3A_14, %dma_start3A_19] : memref<10240x128xf32, #tpu.memory_space<vmem_shared>> -> memref<640x128xf32, #tpu.memory_space<vmem_shared>>
      tpu.enqueue_dma source(%dma_start3A_20 : memref<640x128xf32, #tpu.memory_space<vmem_shared>>) target(%dma_start3A_18 : memref<640x128xf32, #tpu.memory_space<hbm>>) target_semaphore(%run_scoped3A : memref<!tpu.dma_semaphore, #tpu.memory_space<semaphore_mem>>)
      %dma_wait3A = arith.constant 0 : i32
      %dma_wait3A_21 = tpu.memref_slice %arg5[%arg0, %mul3A_16, %dma_wait3A] : memref<2x10240x128xf32, #tpu.memory_space<hbm>> -> memref<1x640x128xf32, #tpu.memory_space<hbm>>
      %dma_wait3A_22 = tpu.memref_squeeze %dma_wait3A_21 : memref<1x640x128xf32, #tpu.memory_space<hbm>> -> memref<640x128xf32, #tpu.memory_space<hbm>>
      %dma_wait3A_23 = arith.constant 0 : i32
      %dma_wait3A_24 = tpu.memref_slice %arg19[%mul3A_14, %dma_wait3A_23] : memref<10240x128xf32, #tpu.memory_space<vmem_shared>> -> memref<640x128xf32, #tpu.memory_space<vmem_shared>>
      tpu.wait_dma2 semaphore(%run_scoped3A : memref<!tpu.dma_semaphore, #tpu.memory_space<semaphore_mem>>) src(%dma_wait3A_24 : memref<640x128xf32, #tpu.memory_space<vmem_shared>>) dst(%dma_wait3A_22 : memref<640x128xf32, #tpu.memory_space<hbm>>)
      tpu.yield
    }) : () -> ()
    return
  }
}

#map = affine_map<(d0, d1) -> (0, 0, 0, 0)>
#map1 = affine_map<(d0, d1) -> (0, 0)>
#map2 = affine_map<(d0, d1) -> (0, 0, 0)>
module attributes {stable_mosaic.version = 14 : i64} {
  func.func @k(%arg0: i32, %arg1: i32, %arg2: memref<1280x4x2x64xi32, #tpu.memory_space<hbm>>, %arg3: memref<64x128xf32, #tpu.memory_space<hbm>>, %arg4: memref<10240x128xf32, #tpu.memory_space<hbm>>, %arg5: memref<2x10240x128xf32, #tpu.memory_space<hbm>>, %arg6: memref<4x2x64xi32, #tpu.memory_space<vmem>>, %arg7: memref<64x128xf32, #tpu.memory_space<vmem>>, %arg8: memref<!tpu.dma_semaphore, #tpu.memory_space<semaphore_mem>>, %arg9: memref<!tpu.dma_semaphore, #tpu.memory_space<semaphore_mem>>, %arg10: memref<!tpu.dma_semaphore, #tpu.memory_space<semaphore_mem>>, %arg11: memref<!tpu.dma_semaphore, #tpu.memory_space<semaphore_mem>>, %arg12: memref<10240x128xf32, #tpu.memory_space<vmem_shared>>) attributes {dimension_semantics = [#tpu.dimension_semantics<core_parallel>, #tpu.dimension_semantics<subcore_parallel>], iteration_bounds = array<i64: 2, 16>, scalar_prefetch = 0 : i64, scratch_operands = 7 : i64, tpu.core_type = #tpu.core_type<sc_vector_subcore>, window_params = [{transform_indices = #map}, {transform_indices = #map1}, {transform_indices = #map1}, {transform_indices = #map2}]} {
    %mul3A = arith.constant 2 : i32
    %mul3A_0 = arith.muli %arg1, %mul3A : i32
    %add3A = arith.addi %mul3A_0, %arg0 : i32
    %mul3A_1 = arith.constant 640 : i32
    %mul3A_2 = arith.muli %arg1, %mul3A_1 : i32
    %mul3A_3 = arith.constant 640 : i32
    %mul3A_4 = arith.muli %arg1, %mul3A_3 : i32
    "tpu.region"() ({
      %run_scoped3A = tpu.sem_alloc : memref<!tpu.dma_semaphore, #tpu.memory_space<semaphore_mem>>
      %dma_start3A = arith.constant 0 : i32
      %dma_start3A_17 = tpu.memref_slice %arg12[%mul3A_4, %dma_start3A] : memref<10240x128xf32, #tpu.memory_space<vmem_shared>> -> memref<640x128xf32, #tpu.memory_space<vmem_shared>>
      %dma_start3A_18 = arith.constant 0 : i32
      %dma_start3A_19 = tpu.memref_slice %arg4[%mul3A_2, %dma_start3A_18] : memref<10240x128xf32, #tpu.memory_space<hbm>> -> memref<640x128xf32, #tpu.memory_space<hbm>>
      tpu.enqueue_dma source(%dma_start3A_19 : memref<640x128xf32, #tpu.memory_space<hbm>>) target(%dma_start3A_17 : memref<640x128xf32, #tpu.memory_space<vmem_shared>>) target_semaphore(%run_scoped3A : memref<!tpu.dma_semaphore, #tpu.memory_space<semaphore_mem>>)
      %dma_wait3A = arith.constant 0 : i32
      %dma_wait3A_20 = tpu.memref_slice %arg12[%mul3A_4, %dma_wait3A] : memref<10240x128xf32, #tpu.memory_space<vmem_shared>> -> memref<640x128xf32, #tpu.memory_space<vmem_shared>>
      %dma_wait3A_21 = arith.constant 0 : i32
      %dma_wait3A_22 = tpu.memref_slice %arg4[%mul3A_2, %dma_wait3A_21] : memref<10240x128xf32, #tpu.memory_space<hbm>> -> memref<640x128xf32, #tpu.memory_space<hbm>>
      tpu.wait_dma2 semaphore(%run_scoped3A : memref<!tpu.dma_semaphore, #tpu.memory_space<semaphore_mem>>) src(%dma_wait3A_22 : memref<640x128xf32, #tpu.memory_space<hbm>>) dst(%dma_wait3A_20 : memref<640x128xf32, #tpu.memory_space<vmem_shared>>)
      tpu.yield
    }) : () -> ()
    "tpu.region"() ({
      %run_scoped3A = tpu.sem_alloc : memref<!tpu.dma_semaphore, #tpu.memory_space<semaphore_mem>>
      tpu.enqueue_dma source(%arg3 : memref<64x128xf32, #tpu.memory_space<hbm>>) target(%arg7 : memref<64x128xf32, #tpu.memory_space<vmem>>) target_semaphore(%run_scoped3A : memref<!tpu.dma_semaphore, #tpu.memory_space<semaphore_mem>>)
      tpu.wait_dma2 semaphore(%run_scoped3A : memref<!tpu.dma_semaphore, #tpu.memory_space<semaphore_mem>>) src(%arg3 : memref<64x128xf32, #tpu.memory_space<hbm>>) dst(%arg7 : memref<64x128xf32, #tpu.memory_space<vmem>>)
      tpu.yield
    }) : () -> ()
    %barrier3A = arith.constant 0 : index
    tpu.barrier barrier_id(%barrier3A)
    %mul3A_5 = arith.constant 40 : i32
    %mul3A_6 = arith.muli %add3A, %mul3A_5 : i32
    %scan3A = arith.constant 0 : i32
    %scan3A_7 = arith.constant 0 : i32
    %scan3A_8 = arith.constant 40 : i32
    %scan3A_9 = arith.addi %scan3A_7, %scan3A_8 : i32
    %scan3A_10 = arith.constant 1 : i32
    scf.for %scan3A_17 = %scan3A_7 to %scan3A_9 step %scan3A_10  : i32 {
      %add3A_18 = arith.addi %mul3A_6, %scan3A_17 : i32
      "tpu.region"() ({
        %run_scoped3A = tpu.sem_alloc : memref<!tpu.dma_semaphore, #tpu.memory_space<semaphore_mem>>
        %dma_start3A_81 = arith.constant 0 : i32
        %dma_start3A_82 = arith.constant 0 : i32
        %dma_start3A_83 = arith.constant 0 : i32
        %dma_start3A_84 = tpu.memref_slice %arg2[%add3A_18, %dma_start3A_81, %dma_start3A_82, %dma_start3A_83] : memref<1280x4x2x64xi32, #tpu.memory_space<hbm>> -> memref<1x4x2x64xi32, #tpu.memory_space<hbm>>
        %dma_start3A_85 = tpu.memref_squeeze %dma_start3A_84 : memref<1x4x2x64xi32, #tpu.memory_space<hbm>> -> memref<4x2x64xi32, #tpu.memory_space<hbm>>
        %dma_start3A_86 = arith.constant 0 : i32
        %dma_start3A_87 = arith.constant 0 : i32
        %dma_start3A_88 = arith.constant 0 : i32
        %dma_start3A_89 = tpu.memref_slice %arg2[%add3A_18, %dma_start3A_86, %dma_start3A_87, %dma_start3A_88] : memref<1280x4x2x64xi32, #tpu.memory_space<hbm>> -> memref<1x4x2x64xi32, #tpu.memory_space<hbm>>
        %dma_start3A_90 = tpu.memref_squeeze %dma_start3A_89 : memref<1x4x2x64xi32, #tpu.memory_space<hbm>> -> memref<4x2x64xi32, #tpu.memory_space<hbm>>
        tpu.enqueue_dma source(%dma_start3A_90 : memref<4x2x64xi32, #tpu.memory_space<hbm>>) target(%arg6 : memref<4x2x64xi32, #tpu.memory_space<vmem>>) target_semaphore(%run_scoped3A : memref<!tpu.dma_semaphore, #tpu.memory_space<semaphore_mem>>)
        %dma_wait3A_91 = arith.constant 0 : i32
        %dma_wait3A_92 = arith.constant 0 : i32
        %dma_wait3A_93 = arith.constant 0 : i32
        %dma_wait3A_94 = tpu.memref_slice %arg2[%add3A_18, %dma_wait3A_91, %dma_wait3A_92, %dma_wait3A_93] : memref<1280x4x2x64xi32, #tpu.memory_space<hbm>> -> memref<1x4x2x64xi32, #tpu.memory_space<hbm>>
        %dma_wait3A_95 = tpu.memref_squeeze %dma_wait3A_94 : memref<1x4x2x64xi32, #tpu.memory_space<hbm>> -> memref<4x2x64xi32, #tpu.memory_space<hbm>>
        %dma_wait3A_96 = arith.constant 0 : i32
        %dma_wait3A_97 = arith.constant 0 : i32
        %dma_wait3A_98 = arith.constant 0 : i32
        %dma_wait3A_99 = tpu.memref_slice %arg2[%add3A_18, %dma_wait3A_96, %dma_wait3A_97, %dma_wait3A_98] : memref<1280x4x2x64xi32, #tpu.memory_space<hbm>> -> memref<1x4x2x64xi32, #tpu.memory_space<hbm>>
        %dma_wait3A_100 = tpu.memref_squeeze %dma_wait3A_99 : memref<1x4x2x64xi32, #tpu.memory_space<hbm>> -> memref<4x2x64xi32, #tpu.memory_space<hbm>>
        tpu.wait_dma2 semaphore(%run_scoped3A : memref<!tpu.dma_semaphore, #tpu.memory_space<semaphore_mem>>) src(%dma_wait3A_100 : memref<4x2x64xi32, #tpu.memory_space<hbm>>) dst(%arg6 : memref<4x2x64xi32, #tpu.memory_space<vmem>>)
        tpu.yield
      }) : () -> ()
      %dma_start3A = arith.constant 0 : i32
      %dma_start3A_19 = arith.constant 1 : i32
      %dma_start3A_20 = arith.constant 0 : i32
      %dma_start3A_21 = tpu.memref_slice %arg6[%dma_start3A, %dma_start3A_19, %dma_start3A_20] : memref<4x2x64xi32, #tpu.memory_space<vmem>> -> memref<1x1x64xi32, #tpu.memory_space<vmem>>
      %dma_start3A_22 = tpu.memref_squeeze %dma_start3A_21 : memref<1x1x64xi32, #tpu.memory_space<vmem>> -> memref<64xi32, #tpu.memory_space<vmem>>
      %dma_start3A_23 = arith.constant 0 : i32
      %dma_start3A_24 = arith.constant 0 : i32
      %dma_start3A_25 = tpu.memref_slice %arg12[%dma_start3A_23, %dma_start3A_24] : memref<10240x128xf32, #tpu.memory_space<vmem_shared>> -> memref<10240x128xf32, #tpu.memory_space<vmem_shared>>
      tpu.enqueue_indirect_dma source(%arg7 : memref<64x128xf32, #tpu.memory_space<vmem>>) target(%dma_start3A_25 : memref<10240x128xf32, #tpu.memory_space<vmem_shared>>) offsets(%dma_start3A_22 : memref<64xi32, #tpu.memory_space<vmem>>) semaphore(%arg8 : memref<!tpu.dma_semaphore, #tpu.memory_space<semaphore_mem>>) {add = true}
      %dma_start3A_26 = arith.constant 1 : i32
      %dma_start3A_27 = arith.constant 1 : i32
      %dma_start3A_28 = arith.constant 0 : i32
      %dma_start3A_29 = tpu.memref_slice %arg6[%dma_start3A_26, %dma_start3A_27, %dma_start3A_28] : memref<4x2x64xi32, #tpu.memory_space<vmem>> -> memref<1x1x64xi32, #tpu.memory_space<vmem>>
      %dma_start3A_30 = tpu.memref_squeeze %dma_start3A_29 : memref<1x1x64xi32, #tpu.memory_space<vmem>> -> memref<64xi32, #tpu.memory_space<vmem>>
      %dma_start3A_31 = arith.constant 0 : i32
      %dma_start3A_32 = arith.constant 0 : i32
      %dma_start3A_33 = tpu.memref_slice %arg12[%dma_start3A_31, %dma_start3A_32] : memref<10240x128xf32, #tpu.memory_space<vmem_shared>> -> memref<10240x128xf32, #tpu.memory_space<vmem_shared>>
      tpu.enqueue_indirect_dma source(%arg7 : memref<64x128xf32, #tpu.memory_space<vmem>>) target(%dma_start3A_33 : memref<10240x128xf32, #tpu.memory_space<vmem_shared>>) offsets(%dma_start3A_30 : memref<64xi32, #tpu.memory_space<vmem>>) semaphore(%arg9 : memref<!tpu.dma_semaphore, #tpu.memory_space<semaphore_mem>>) {add = true}
      %dma_start3A_34 = arith.constant 2 : i32
      %dma_start3A_35 = arith.constant 1 : i32
      %dma_start3A_36 = arith.constant 0 : i32
      %dma_start3A_37 = tpu.memref_slice %arg6[%dma_start3A_34, %dma_start3A_35, %dma_start3A_36] : memref<4x2x64xi32, #tpu.memory_space<vmem>> -> memref<1x1x64xi32, #tpu.memory_space<vmem>>
      %dma_start3A_38 = tpu.memref_squeeze %dma_start3A_37 : memref<1x1x64xi32, #tpu.memory_space<vmem>> -> memref<64xi32, #tpu.memory_space<vmem>>
      %dma_start3A_39 = arith.constant 0 : i32
      %dma_start3A_40 = arith.constant 0 : i32
      %dma_start3A_41 = tpu.memref_slice %arg12[%dma_start3A_39, %dma_start3A_40] : memref<10240x128xf32, #tpu.memory_space<vmem_shared>> -> memref<10240x128xf32, #tpu.memory_space<vmem_shared>>
      tpu.enqueue_indirect_dma source(%arg7 : memref<64x128xf32, #tpu.memory_space<vmem>>) target(%dma_start3A_41 : memref<10240x128xf32, #tpu.memory_space<vmem_shared>>) offsets(%dma_start3A_38 : memref<64xi32, #tpu.memory_space<vmem>>) semaphore(%arg10 : memref<!tpu.dma_semaphore, #tpu.memory_space<semaphore_mem>>) {add = true}
      %dma_start3A_42 = arith.constant 3 : i32
      %dma_start3A_43 = arith.constant 1 : i32
      %dma_start3A_44 = arith.constant 0 : i32
      %dma_start3A_45 = tpu.memref_slice %arg6[%dma_start3A_42, %dma_start3A_43, %dma_start3A_44] : memref<4x2x64xi32, #tpu.memory_space<vmem>> -> memref<1x1x64xi32, #tpu.memory_space<vmem>>
      %dma_start3A_46 = tpu.memref_squeeze %dma_start3A_45 : memref<1x1x64xi32, #tpu.memory_space<vmem>> -> memref<64xi32, #tpu.memory_space<vmem>>
      %dma_start3A_47 = arith.constant 0 : i32
      %dma_start3A_48 = arith.constant 0 : i32
      %dma_start3A_49 = tpu.memref_slice %arg12[%dma_start3A_47, %dma_start3A_48] : memref<10240x128xf32, #tpu.memory_space<vmem_shared>> -> memref<10240x128xf32, #tpu.memory_space<vmem_shared>>
      tpu.enqueue_indirect_dma source(%arg7 : memref<64x128xf32, #tpu.memory_space<vmem>>) target(%dma_start3A_49 : memref<10240x128xf32, #tpu.memory_space<vmem_shared>>) offsets(%dma_start3A_46 : memref<64xi32, #tpu.memory_space<vmem>>) semaphore(%arg11 : memref<!tpu.dma_semaphore, #tpu.memory_space<semaphore_mem>>) {add = true}
      %dma_wait3A = arith.constant 0 : i32
      %dma_wait3A_50 = arith.constant 1 : i32
      %dma_wait3A_51 = arith.constant 0 : i32
      %dma_wait3A_52 = tpu.memref_slice %arg6[%dma_wait3A, %dma_wait3A_50, %dma_wait3A_51] : memref<4x2x64xi32, #tpu.memory_space<vmem>> -> memref<1x1x64xi32, #tpu.memory_space<vmem>>
      %dma_wait3A_53 = tpu.memref_squeeze %dma_wait3A_52 : memref<1x1x64xi32, #tpu.memory_space<vmem>> -> memref<64xi32, #tpu.memory_space<vmem>>
      %dma_wait3A_54 = arith.constant 0 : i32
      %dma_wait3A_55 = arith.constant 0 : i32
      %dma_wait3A_56 = tpu.memref_slice %arg12[%dma_wait3A_54, %dma_wait3A_55] : memref<10240x128xf32, #tpu.memory_space<vmem_shared>> -> memref<10240x128xf32, #tpu.memory_space<vmem_shared>>
      tpu.wait_indirect_dma semaphore(%arg8 : memref<!tpu.dma_semaphore, #tpu.memory_space<semaphore_mem>>) src(%arg7 : memref<64x128xf32, #tpu.memory_space<vmem>>) dst(%dma_wait3A_56 : memref<10240x128xf32, #tpu.memory_space<vmem_shared>>)
      %dma_wait3A_57 = arith.constant 1 : i32
      %dma_wait3A_58 = arith.constant 1 : i32
      %dma_wait3A_59 = arith.constant 0 : i32
      %dma_wait3A_60 = tpu.memref_slice %arg6[%dma_wait3A_57, %dma_wait3A_58, %dma_wait3A_59] : memref<4x2x64xi32, #tpu.memory_space<vmem>> -> memref<1x1x64xi32, #tpu.memory_space<vmem>>
      %dma_wait3A_61 = tpu.memref_squeeze %dma_wait3A_60 : memref<1x1x64xi32, #tpu.memory_space<vmem>> -> memref<64xi32, #tpu.memory_space<vmem>>
      %dma_wait3A_62 = arith.constant 0 : i32
      %dma_wait3A_63 = arith.constant 0 : i32
      %dma_wait3A_64 = tpu.memref_slice %arg12[%dma_wait3A_62, %dma_wait3A_63] : memref<10240x128xf32, #tpu.memory_space<vmem_shared>> -> memref<10240x128xf32, #tpu.memory_space<vmem_shared>>
      tpu.wait_indirect_dma semaphore(%arg9 : memref<!tpu.dma_semaphore, #tpu.memory_space<semaphore_mem>>) src(%arg7 : memref<64x128xf32, #tpu.memory_space<vmem>>) dst(%dma_wait3A_64 : memref<10240x128xf32, #tpu.memory_space<vmem_shared>>)
      %dma_wait3A_65 = arith.constant 2 : i32
      %dma_wait3A_66 = arith.constant 1 : i32
      %dma_wait3A_67 = arith.constant 0 : i32
      %dma_wait3A_68 = tpu.memref_slice %arg6[%dma_wait3A_65, %dma_wait3A_66, %dma_wait3A_67] : memref<4x2x64xi32, #tpu.memory_space<vmem>> -> memref<1x1x64xi32, #tpu.memory_space<vmem>>
      %dma_wait3A_69 = tpu.memref_squeeze %dma_wait3A_68 : memref<1x1x64xi32, #tpu.memory_space<vmem>> -> memref<64xi32, #tpu.memory_space<vmem>>
      %dma_wait3A_70 = arith.constant 0 : i32
      %dma_wait3A_71 = arith.constant 0 : i32
      %dma_wait3A_72 = tpu.memref_slice %arg12[%dma_wait3A_70, %dma_wait3A_71] : memref<10240x128xf32, #tpu.memory_space<vmem_shared>> -> memref<10240x128xf32, #tpu.memory_space<vmem_shared>>
      tpu.wait_indirect_dma semaphore(%arg10 : memref<!tpu.dma_semaphore, #tpu.memory_space<semaphore_mem>>) src(%arg7 : memref<64x128xf32, #tpu.memory_space<vmem>>) dst(%dma_wait3A_72 : memref<10240x128xf32, #tpu.memory_space<vmem_shared>>)
      %dma_wait3A_73 = arith.constant 3 : i32
      %dma_wait3A_74 = arith.constant 1 : i32
      %dma_wait3A_75 = arith.constant 0 : i32
      %dma_wait3A_76 = tpu.memref_slice %arg6[%dma_wait3A_73, %dma_wait3A_74, %dma_wait3A_75] : memref<4x2x64xi32, #tpu.memory_space<vmem>> -> memref<1x1x64xi32, #tpu.memory_space<vmem>>
      %dma_wait3A_77 = tpu.memref_squeeze %dma_wait3A_76 : memref<1x1x64xi32, #tpu.memory_space<vmem>> -> memref<64xi32, #tpu.memory_space<vmem>>
      %dma_wait3A_78 = arith.constant 0 : i32
      %dma_wait3A_79 = arith.constant 0 : i32
      %dma_wait3A_80 = tpu.memref_slice %arg12[%dma_wait3A_78, %dma_wait3A_79] : memref<10240x128xf32, #tpu.memory_space<vmem_shared>> -> memref<10240x128xf32, #tpu.memory_space<vmem_shared>>
      tpu.wait_indirect_dma semaphore(%arg11 : memref<!tpu.dma_semaphore, #tpu.memory_space<semaphore_mem>>) src(%arg7 : memref<64x128xf32, #tpu.memory_space<vmem>>) dst(%dma_wait3A_80 : memref<10240x128xf32, #tpu.memory_space<vmem_shared>>)
    }
    %scan3A_11 = arith.constant 40 : i32
    %barrier3A_12 = arith.constant 0 : index
    tpu.barrier barrier_id(%barrier3A_12)
    %mul3A_13 = arith.constant 640 : i32
    %mul3A_14 = arith.muli %arg1, %mul3A_13 : i32
    %mul3A_15 = arith.constant 640 : i32
    %mul3A_16 = arith.muli %arg1, %mul3A_15 : i32
    "tpu.region"() ({
      %run_scoped3A = tpu.sem_alloc : memref<!tpu.dma_semaphore, #tpu.memory_space<semaphore_mem>>
      %dma_start3A = arith.constant 0 : i32
      %dma_start3A_17 = tpu.memref_slice %arg5[%arg0, %mul3A_16, %dma_start3A] : memref<2x10240x128xf32, #tpu.memory_space<hbm>> -> memref<1x640x128xf32, #tpu.memory_space<hbm>>
      %dma_start3A_18 = tpu.memref_squeeze %dma_start3A_17 : memref<1x640x128xf32, #tpu.memory_space<hbm>> -> memref<640x128xf32, #tpu.memory_space<hbm>>
      %dma_start3A_19 = arith.constant 0 : i32
      %dma_start3A_20 = tpu.memref_slice %arg12[%mul3A_14, %dma_start3A_19] : memref<10240x128xf32, #tpu.memory_space<vmem_shared>> -> memref<640x128xf32, #tpu.memory_space<vmem_shared>>
      tpu.enqueue_dma source(%dma_start3A_20 : memref<640x128xf32, #tpu.memory_space<vmem_shared>>) target(%dma_start3A_18 : memref<640x128xf32, #tpu.memory_space<hbm>>) target_semaphore(%run_scoped3A : memref<!tpu.dma_semaphore, #tpu.memory_space<semaphore_mem>>)
      %dma_wait3A = arith.constant 0 : i32
      %dma_wait3A_21 = tpu.memref_slice %arg5[%arg0, %mul3A_16, %dma_wait3A] : memref<2x10240x128xf32, #tpu.memory_space<hbm>> -> memref<1x640x128xf32, #tpu.memory_space<hbm>>
      %dma_wait3A_22 = tpu.memref_squeeze %dma_wait3A_21 : memref<1x640x128xf32, #tpu.memory_space<hbm>> -> memref<640x128xf32, #tpu.memory_space<hbm>>
      %dma_wait3A_23 = arith.constant 0 : i32
      %dma_wait3A_24 = tpu.memref_slice %arg12[%mul3A_14, %dma_wait3A_23] : memref<10240x128xf32, #tpu.memory_space<vmem_shared>> -> memref<640x128xf32, #tpu.memory_space<vmem_shared>>
      tpu.wait_dma2 semaphore(%run_scoped3A : memref<!tpu.dma_semaphore, #tpu.memory_space<semaphore_mem>>) src(%dma_wait3A_24 : memref<640x128xf32, #tpu.memory_space<vmem_shared>>) dst(%dma_wait3A_22 : memref<640x128xf32, #tpu.memory_space<hbm>>)
      tpu.yield
    }) : () -> ()
    return
  }
}

#map = affine_map<(d0, d1) -> (0, 0)>
#map1 = affine_map<(d0, d1) -> (0, 0, 0, 0)>
#map2 = affine_map<(d0, d1) -> (0, 0, 0)>
module attributes {stable_mosaic.version = 14 : i64} {
  func.func @k(%arg0: i32, %arg1: i32, %arg2: memref<10240x128xf32, #tpu.memory_space<hbm>>, %arg3: memref<1280x4x2x64xi32, #tpu.memory_space<hbm>>, %arg4: memref<10240x128xf32, #tpu.memory_space<hbm>>, %arg5: memref<2x10240x128xf32, #tpu.memory_space<hbm>>, %arg6: memref<4x2x64xi32, #tpu.memory_space<vmem>>, %arg7: memref<64x128xf32, #tpu.memory_space<vmem>>, %arg8: memref<64x128xf32, #tpu.memory_space<vmem>>, %arg9: memref<64x128xf32, #tpu.memory_space<vmem>>, %arg10: memref<64x128xf32, #tpu.memory_space<vmem>>, %arg11: memref<!tpu.dma_semaphore, #tpu.memory_space<semaphore_mem>>, %arg12: memref<!tpu.dma_semaphore, #tpu.memory_space<semaphore_mem>>, %arg13: memref<!tpu.dma_semaphore, #tpu.memory_space<semaphore_mem>>, %arg14: memref<!tpu.dma_semaphore, #tpu.memory_space<semaphore_mem>>, %arg15: memref<!tpu.dma_semaphore, #tpu.memory_space<semaphore_mem>>, %arg16: memref<!tpu.dma_semaphore, #tpu.memory_space<semaphore_mem>>, %arg17: memref<!tpu.dma_semaphore, #tpu.memory_space<semaphore_mem>>, %arg18: memref<!tpu.dma_semaphore, #tpu.memory_space<semaphore_mem>>, %arg19: memref<10240x128xf32, #tpu.memory_space<vmem_shared>>) attributes {dimension_semantics = [#tpu.dimension_semantics<core_parallel>, #tpu.dimension_semantics<subcore_parallel>], iteration_bounds = array<i64: 2, 16>, scalar_prefetch = 0 : i64, scratch_operands = 14 : i64, tpu.core_type = #tpu.core_type<sc_vector_subcore>, window_params = [{transform_indices = #map}, {transform_indices = #map1}, {transform_indices = #map}, {transform_indices = #map2}]} {
    %mul3A = arith.constant 2 : i32
    %mul3A_0 = arith.muli %arg1, %mul3A : i32
    %add3A = arith.addi %mul3A_0, %arg0 : i32
    %mul3A_1 = arith.constant 640 : i32
    %mul3A_2 = arith.muli %arg1, %mul3A_1 : i32
    %mul3A_3 = arith.constant 640 : i32
    %mul3A_4 = arith.muli %arg1, %mul3A_3 : i32
    "tpu.region"() ({
      %run_scoped3A = tpu.sem_alloc : memref<!tpu.dma_semaphore, #tpu.memory_space<semaphore_mem>>
      %dma_start3A = arith.constant 0 : i32
      %dma_start3A_17 = tpu.memref_slice %arg19[%mul3A_4, %dma_start3A] : memref<10240x128xf32, #tpu.memory_space<vmem_shared>> -> memref<640x128xf32, #tpu.memory_space<vmem_shared>>
      %dma_start3A_18 = arith.constant 0 : i32
      %dma_start3A_19 = tpu.memref_slice %arg4[%mul3A_2, %dma_start3A_18] : memref<10240x128xf32, #tpu.memory_space<hbm>> -> memref<640x128xf32, #tpu.memory_space<hbm>>
      tpu.enqueue_dma source(%dma_start3A_19 : memref<640x128xf32, #tpu.memory_space<hbm>>) target(%dma_start3A_17 : memref<640x128xf32, #tpu.memory_space<vmem_shared>>) target_semaphore(%run_scoped3A : memref<!tpu.dma_semaphore, #tpu.memory_space<semaphore_mem>>)
      %dma_wait3A = arith.constant 0 : i32
      %dma_wait3A_20 = tpu.memref_slice %arg19[%mul3A_4, %dma_wait3A] : memref<10240x128xf32, #tpu.memory_space<vmem_shared>> -> memref<640x128xf32, #tpu.memory_space<vmem_shared>>
      %dma_wait3A_21 = arith.constant 0 : i32
      %dma_wait3A_22 = tpu.memref_slice %arg4[%mul3A_2, %dma_wait3A_21] : memref<10240x128xf32, #tpu.memory_space<hbm>> -> memref<640x128xf32, #tpu.memory_space<hbm>>
      tpu.wait_dma2 semaphore(%run_scoped3A : memref<!tpu.dma_semaphore, #tpu.memory_space<semaphore_mem>>) src(%dma_wait3A_22 : memref<640x128xf32, #tpu.memory_space<hbm>>) dst(%dma_wait3A_20 : memref<640x128xf32, #tpu.memory_space<vmem_shared>>)
      tpu.yield
    }) : () -> ()
    %barrier3A = arith.constant 0 : index
    tpu.barrier barrier_id(%barrier3A)
    %mul3A_5 = arith.constant 40 : i32
    %mul3A_6 = arith.muli %add3A, %mul3A_5 : i32
    %scan3A = arith.constant 0 : i32
    %scan3A_7 = arith.constant 0 : i32
    %scan3A_8 = arith.constant 40 : i32
    %scan3A_9 = arith.addi %scan3A_7, %scan3A_8 : i32
    %scan3A_10 = arith.constant 1 : i32
    scf.for %scan3A_17 = %scan3A_7 to %scan3A_9 step %scan3A_10  : i32 {
      %add3A_18 = arith.addi %mul3A_6, %scan3A_17 : i32
      "tpu.region"() ({
        %run_scoped3A = tpu.sem_alloc : memref<!tpu.dma_semaphore, #tpu.memory_space<semaphore_mem>>
        %dma_start3A_145 = arith.constant 0 : i32
        %dma_start3A_146 = arith.constant 0 : i32
        %dma_start3A_147 = arith.constant 0 : i32
        %dma_start3A_148 = tpu.memref_slice %arg3[%add3A_18, %dma_start3A_145, %dma_start3A_146, %dma_start3A_147] : memref<1280x4x2x64xi32, #tpu.memory_space<hbm>> -> memref<1x4x2x64xi32, #tpu.memory_space<hbm>>
        %dma_start3A_149 = tpu.memref_squeeze %dma_start3A_148 : memref<1x4x2x64xi32, #tpu.memory_space<hbm>> -> memref<4x2x64xi32, #tpu.memory_space<hbm>>
        %dma_start3A_150 = arith.constant 0 : i32
        %dma_start3A_151 = arith.constant 0 : i32
        %dma_start3A_152 = arith.constant 0 : i32
        %dma_start3A_153 = tpu.memref_slice %arg3[%add3A_18, %dma_start3A_150, %dma_start3A_151, %dma_start3A_152] : memref<1280x4x2x64xi32, #tpu.memory_space<hbm>> -> memref<1x4x2x64xi32, #tpu.memory_space<hbm>>
        %dma_start3A_154 = tpu.memref_squeeze %dma_start3A_153 : memref<1x4x2x64xi32, #tpu.memory_space<hbm>> -> memref<4x2x64xi32, #tpu.memory_space<hbm>>
        tpu.enqueue_dma source(%dma_start3A_154 : memref<4x2x64xi32, #tpu.memory_space<hbm>>) target(%arg6 : memref<4x2x64xi32, #tpu.memory_space<vmem>>) target_semaphore(%run_scoped3A : memref<!tpu.dma_semaphore, #tpu.memory_space<semaphore_mem>>)
        %dma_wait3A_155 = arith.constant 0 : i32
        %dma_wait3A_156 = arith.constant 0 : i32
        %dma_wait3A_157 = arith.constant 0 : i32
        %dma_wait3A_158 = tpu.memref_slice %arg3[%add3A_18, %dma_wait3A_155, %dma_wait3A_156, %dma_wait3A_157] : memref<1280x4x2x64xi32, #tpu.memory_space<hbm>> -> memref<1x4x2x64xi32, #tpu.memory_space<hbm>>
        %dma_wait3A_159 = tpu.memref_squeeze %dma_wait3A_158 : memref<1x4x2x64xi32, #tpu.memory_space<hbm>> -> memref<4x2x64xi32, #tpu.memory_space<hbm>>
        %dma_wait3A_160 = arith.constant 0 : i32
        %dma_wait3A_161 = arith.constant 0 : i32
        %dma_wait3A_162 = arith.constant 0 : i32
        %dma_wait3A_163 = tpu.memref_slice %arg3[%add3A_18, %dma_wait3A_160, %dma_wait3A_161, %dma_wait3A_162] : memref<1280x4x2x64xi32, #tpu.memory_space<hbm>> -> memref<1x4x2x64xi32, #tpu.memory_space<hbm>>
        %dma_wait3A_164 = tpu.memref_squeeze %dma_wait3A_163 : memref<1x4x2x64xi32, #tpu.memory_space<hbm>> -> memref<4x2x64xi32, #tpu.memory_space<hbm>>
        tpu.wait_dma2 semaphore(%run_scoped3A : memref<!tpu.dma_semaphore, #tpu.memory_space<semaphore_mem>>) src(%dma_wait3A_164 : memref<4x2x64xi32, #tpu.memory_space<hbm>>) dst(%arg6 : memref<4x2x64xi32, #tpu.memory_space<vmem>>)
        tpu.yield
      }) : () -> ()
      %dma_start3A = arith.constant 0 : i32
      %dma_start3A_19 = arith.constant 0 : i32
      %dma_start3A_20 = arith.constant 0 : i32
      %dma_start3A_21 = tpu.memref_slice %arg6[%dma_start3A, %dma_start3A_19, %dma_start3A_20] : memref<4x2x64xi32, #tpu.memory_space<vmem>> -> memref<1x1x64xi32, #tpu.memory_space<vmem>>
      %dma_start3A_22 = tpu.memref_squeeze %dma_start3A_21 : memref<1x1x64xi32, #tpu.memory_space<vmem>> -> memref<64xi32, #tpu.memory_space<vmem>>
      %dma_start3A_23 = arith.constant 0 : i32
      %dma_start3A_24 = arith.constant 0 : i32
      %dma_start3A_25 = tpu.memref_slice %arg2[%dma_start3A_23, %dma_start3A_24] : memref<10240x128xf32, #tpu.memory_space<hbm>> -> memref<10240x128xf32, #tpu.memory_space<hbm>>
      tpu.enqueue_indirect_dma source(%dma_start3A_25 : memref<10240x128xf32, #tpu.memory_space<hbm>>) target(%arg7 : memref<64x128xf32, #tpu.memory_space<vmem>>) offsets(%dma_start3A_22 : memref<64xi32, #tpu.memory_space<vmem>>) semaphore(%arg11 : memref<!tpu.dma_semaphore, #tpu.memory_space<semaphore_mem>>)
      %dma_start3A_26 = arith.constant 1 : i32
      %dma_start3A_27 = arith.constant 0 : i32
      %dma_start3A_28 = arith.constant 0 : i32
      %dma_start3A_29 = tpu.memref_slice %arg6[%dma_start3A_26, %dma_start3A_27, %dma_start3A_28] : memref<4x2x64xi32, #tpu.memory_space<vmem>> -> memref<1x1x64xi32, #tpu.memory_space<vmem>>
      %dma_start3A_30 = tpu.memref_squeeze %dma_start3A_29 : memref<1x1x64xi32, #tpu.memory_space<vmem>> -> memref<64xi32, #tpu.memory_space<vmem>>
      %dma_start3A_31 = arith.constant 0 : i32
      %dma_start3A_32 = arith.constant 0 : i32
      %dma_start3A_33 = tpu.memref_slice %arg2[%dma_start3A_31, %dma_start3A_32] : memref<10240x128xf32, #tpu.memory_space<hbm>> -> memref<10240x128xf32, #tpu.memory_space<hbm>>
      tpu.enqueue_indirect_dma source(%dma_start3A_33 : memref<10240x128xf32, #tpu.memory_space<hbm>>) target(%arg8 : memref<64x128xf32, #tpu.memory_space<vmem>>) offsets(%dma_start3A_30 : memref<64xi32, #tpu.memory_space<vmem>>) semaphore(%arg12 : memref<!tpu.dma_semaphore, #tpu.memory_space<semaphore_mem>>)
      %dma_start3A_34 = arith.constant 2 : i32
      %dma_start3A_35 = arith.constant 0 : i32
      %dma_start3A_36 = arith.constant 0 : i32
      %dma_start3A_37 = tpu.memref_slice %arg6[%dma_start3A_34, %dma_start3A_35, %dma_start3A_36] : memref<4x2x64xi32, #tpu.memory_space<vmem>> -> memref<1x1x64xi32, #tpu.memory_space<vmem>>
      %dma_start3A_38 = tpu.memref_squeeze %dma_start3A_37 : memref<1x1x64xi32, #tpu.memory_space<vmem>> -> memref<64xi32, #tpu.memory_space<vmem>>
      %dma_start3A_39 = arith.constant 0 : i32
      %dma_start3A_40 = arith.constant 0 : i32
      %dma_start3A_41 = tpu.memref_slice %arg2[%dma_start3A_39, %dma_start3A_40] : memref<10240x128xf32, #tpu.memory_space<hbm>> -> memref<10240x128xf32, #tpu.memory_space<hbm>>
      tpu.enqueue_indirect_dma source(%dma_start3A_41 : memref<10240x128xf32, #tpu.memory_space<hbm>>) target(%arg9 : memref<64x128xf32, #tpu.memory_space<vmem>>) offsets(%dma_start3A_38 : memref<64xi32, #tpu.memory_space<vmem>>) semaphore(%arg13 : memref<!tpu.dma_semaphore, #tpu.memory_space<semaphore_mem>>)
      %dma_start3A_42 = arith.constant 3 : i32
      %dma_start3A_43 = arith.constant 0 : i32
      %dma_start3A_44 = arith.constant 0 : i32
      %dma_start3A_45 = tpu.memref_slice %arg6[%dma_start3A_42, %dma_start3A_43, %dma_start3A_44] : memref<4x2x64xi32, #tpu.memory_space<vmem>> -> memref<1x1x64xi32, #tpu.memory_space<vmem>>
      %dma_start3A_46 = tpu.memref_squeeze %dma_start3A_45 : memref<1x1x64xi32, #tpu.memory_space<vmem>> -> memref<64xi32, #tpu.memory_space<vmem>>
      %dma_start3A_47 = arith.constant 0 : i32
      %dma_start3A_48 = arith.constant 0 : i32
      %dma_start3A_49 = tpu.memref_slice %arg2[%dma_start3A_47, %dma_start3A_48] : memref<10240x128xf32, #tpu.memory_space<hbm>> -> memref<10240x128xf32, #tpu.memory_space<hbm>>
      tpu.enqueue_indirect_dma source(%dma_start3A_49 : memref<10240x128xf32, #tpu.memory_space<hbm>>) target(%arg10 : memref<64x128xf32, #tpu.memory_space<vmem>>) offsets(%dma_start3A_46 : memref<64xi32, #tpu.memory_space<vmem>>) semaphore(%arg14 : memref<!tpu.dma_semaphore, #tpu.memory_space<semaphore_mem>>)
      %dma_wait3A = arith.constant 0 : i32
      %dma_wait3A_50 = arith.constant 0 : i32
      %dma_wait3A_51 = arith.constant 0 : i32
      %dma_wait3A_52 = tpu.memref_slice %arg6[%dma_wait3A, %dma_wait3A_50, %dma_wait3A_51] : memref<4x2x64xi32, #tpu.memory_space<vmem>> -> memref<1x1x64xi32, #tpu.memory_space<vmem>>
      %dma_wait3A_53 = tpu.memref_squeeze %dma_wait3A_52 : memref<1x1x64xi32, #tpu.memory_space<vmem>> -> memref<64xi32, #tpu.memory_space<vmem>>
      %dma_wait3A_54 = arith.constant 0 : i32
      %dma_wait3A_55 = arith.constant 0 : i32
      %dma_wait3A_56 = tpu.memref_slice %arg2[%dma_wait3A_54, %dma_wait3A_55] : memref<10240x128xf32, #tpu.memory_space<hbm>> -> memref<10240x128xf32, #tpu.memory_space<hbm>>
      tpu.wait_indirect_dma semaphore(%arg11 : memref<!tpu.dma_semaphore, #tpu.memory_space<semaphore_mem>>) src(%dma_wait3A_56 : memref<10240x128xf32, #tpu.memory_space<hbm>>) dst(%arg7 : memref<64x128xf32, #tpu.memory_space<vmem>>)
      %dma_start3A_57 = arith.constant 0 : i32
      %dma_start3A_58 = arith.constant 1 : i32
      %dma_start3A_59 = arith.constant 0 : i32
      %dma_start3A_60 = tpu.memref_slice %arg6[%dma_start3A_57, %dma_start3A_58, %dma_start3A_59] : memref<4x2x64xi32, #tpu.memory_space<vmem>> -> memref<1x1x64xi32, #tpu.memory_space<vmem>>
      %dma_start3A_61 = tpu.memref_squeeze %dma_start3A_60 : memref<1x1x64xi32, #tpu.memory_space<vmem>> -> memref<64xi32, #tpu.memory_space<vmem>>
      %dma_start3A_62 = arith.constant 0 : i32
      %dma_start3A_63 = arith.constant 0 : i32
      %dma_start3A_64 = tpu.memref_slice %arg19[%dma_start3A_62, %dma_start3A_63] : memref<10240x128xf32, #tpu.memory_space<vmem_shared>> -> memref<10240x128xf32, #tpu.memory_space<vmem_shared>>
      tpu.enqueue_indirect_dma source(%arg7 : memref<64x128xf32, #tpu.memory_space<vmem>>) target(%dma_start3A_64 : memref<10240x128xf32, #tpu.memory_space<vmem_shared>>) offsets(%dma_start3A_61 : memref<64xi32, #tpu.memory_space<vmem>>) semaphore(%arg15 : memref<!tpu.dma_semaphore, #tpu.memory_space<semaphore_mem>>) {add = true}
      %dma_wait3A_65 = arith.constant 1 : i32
      %dma_wait3A_66 = arith.constant 0 : i32
      %dma_wait3A_67 = arith.constant 0 : i32
      %dma_wait3A_68 = tpu.memref_slice %arg6[%dma_wait3A_65, %dma_wait3A_66, %dma_wait3A_67] : memref<4x2x64xi32, #tpu.memory_space<vmem>> -> memref<1x1x64xi32, #tpu.memory_space<vmem>>
      %dma_wait3A_69 = tpu.memref_squeeze %dma_wait3A_68 : memref<1x1x64xi32, #tpu.memory_space<vmem>> -> memref<64xi32, #tpu.memory_space<vmem>>
      %dma_wait3A_70 = arith.constant 0 : i32
      %dma_wait3A_71 = arith.constant 0 : i32
      %dma_wait3A_72 = tpu.memref_slice %arg2[%dma_wait3A_70, %dma_wait3A_71] : memref<10240x128xf32, #tpu.memory_space<hbm>> -> memref<10240x128xf32, #tpu.memory_space<hbm>>
      tpu.wait_indirect_dma semaphore(%arg12 : memref<!tpu.dma_semaphore, #tpu.memory_space<semaphore_mem>>) src(%dma_wait3A_72 : memref<10240x128xf32, #tpu.memory_space<hbm>>) dst(%arg8 : memref<64x128xf32, #tpu.memory_space<vmem>>)
      %dma_start3A_73 = arith.constant 1 : i32
      %dma_start3A_74 = arith.constant 1 : i32
      %dma_start3A_75 = arith.constant 0 : i32
      %dma_start3A_76 = tpu.memref_slice %arg6[%dma_start3A_73, %dma_start3A_74, %dma_start3A_75] : memref<4x2x64xi32, #tpu.memory_space<vmem>> -> memref<1x1x64xi32, #tpu.memory_space<vmem>>
      %dma_start3A_77 = tpu.memref_squeeze %dma_start3A_76 : memref<1x1x64xi32, #tpu.memory_space<vmem>> -> memref<64xi32, #tpu.memory_space<vmem>>
      %dma_start3A_78 = arith.constant 0 : i32
      %dma_start3A_79 = arith.constant 0 : i32
      %dma_start3A_80 = tpu.memref_slice %arg19[%dma_start3A_78, %dma_start3A_79] : memref<10240x128xf32, #tpu.memory_space<vmem_shared>> -> memref<10240x128xf32, #tpu.memory_space<vmem_shared>>
      tpu.enqueue_indirect_dma source(%arg8 : memref<64x128xf32, #tpu.memory_space<vmem>>) target(%dma_start3A_80 : memref<10240x128xf32, #tpu.memory_space<vmem_shared>>) offsets(%dma_start3A_77 : memref<64xi32, #tpu.memory_space<vmem>>) semaphore(%arg16 : memref<!tpu.dma_semaphore, #tpu.memory_space<semaphore_mem>>) {add = true}
      %dma_wait3A_81 = arith.constant 2 : i32
      %dma_wait3A_82 = arith.constant 0 : i32
      %dma_wait3A_83 = arith.constant 0 : i32
      %dma_wait3A_84 = tpu.memref_slice %arg6[%dma_wait3A_81, %dma_wait3A_82, %dma_wait3A_83] : memref<4x2x64xi32, #tpu.memory_space<vmem>> -> memref<1x1x64xi32, #tpu.memory_space<vmem>>
      %dma_wait3A_85 = tpu.memref_squeeze %dma_wait3A_84 : memref<1x1x64xi32, #tpu.memory_space<vmem>> -> memref<64xi32, #tpu.memory_space<vmem>>
      %dma_wait3A_86 = arith.constant 0 : i32
      %dma_wait3A_87 = arith.constant 0 : i32
      %dma_wait3A_88 = tpu.memref_slice %arg2[%dma_wait3A_86, %dma_wait3A_87] : memref<10240x128xf32, #tpu.memory_space<hbm>> -> memref<10240x128xf32, #tpu.memory_space<hbm>>
      tpu.wait_indirect_dma semaphore(%arg13 : memref<!tpu.dma_semaphore, #tpu.memory_space<semaphore_mem>>) src(%dma_wait3A_88 : memref<10240x128xf32, #tpu.memory_space<hbm>>) dst(%arg9 : memref<64x128xf32, #tpu.memory_space<vmem>>)
      %dma_start3A_89 = arith.constant 2 : i32
      %dma_start3A_90 = arith.constant 1 : i32
      %dma_start3A_91 = arith.constant 0 : i32
      %dma_start3A_92 = tpu.memref_slice %arg6[%dma_start3A_89, %dma_start3A_90, %dma_start3A_91] : memref<4x2x64xi32, #tpu.memory_space<vmem>> -> memref<1x1x64xi32, #tpu.memory_space<vmem>>
      %dma_start3A_93 = tpu.memref_squeeze %dma_start3A_92 : memref<1x1x64xi32, #tpu.memory_space<vmem>> -> memref<64xi32, #tpu.memory_space<vmem>>
      %dma_start3A_94 = arith.constant 0 : i32
      %dma_start3A_95 = arith.constant 0 : i32
      %dma_start3A_96 = tpu.memref_slice %arg19[%dma_start3A_94, %dma_start3A_95] : memref<10240x128xf32, #tpu.memory_space<vmem_shared>> -> memref<10240x128xf32, #tpu.memory_space<vmem_shared>>
      tpu.enqueue_indirect_dma source(%arg9 : memref<64x128xf32, #tpu.memory_space<vmem>>) target(%dma_start3A_96 : memref<10240x128xf32, #tpu.memory_space<vmem_shared>>) offsets(%dma_start3A_93 : memref<64xi32, #tpu.memory_space<vmem>>) semaphore(%arg17 : memref<!tpu.dma_semaphore, #tpu.memory_space<semaphore_mem>>) {add = true}
      %dma_wait3A_97 = arith.constant 3 : i32
      %dma_wait3A_98 = arith.constant 0 : i32
      %dma_wait3A_99 = arith.constant 0 : i32
      %dma_wait3A_100 = tpu.memref_slice %arg6[%dma_wait3A_97, %dma_wait3A_98, %dma_wait3A_99] : memref<4x2x64xi32, #tpu.memory_space<vmem>> -> memref<1x1x64xi32, #tpu.memory_space<vmem>>
      %dma_wait3A_101 = tpu.memref_squeeze %dma_wait3A_100 : memref<1x1x64xi32, #tpu.memory_space<vmem>> -> memref<64xi32, #tpu.memory_space<vmem>>
      %dma_wait3A_102 = arith.constant 0 : i32
      %dma_wait3A_103 = arith.constant 0 : i32
      %dma_wait3A_104 = tpu.memref_slice %arg2[%dma_wait3A_102, %dma_wait3A_103] : memref<10240x128xf32, #tpu.memory_space<hbm>> -> memref<10240x128xf32, #tpu.memory_space<hbm>>
      tpu.wait_indirect_dma semaphore(%arg14 : memref<!tpu.dma_semaphore, #tpu.memory_space<semaphore_mem>>) src(%dma_wait3A_104 : memref<10240x128xf32, #tpu.memory_space<hbm>>) dst(%arg10 : memref<64x128xf32, #tpu.memory_space<vmem>>)
      %dma_start3A_105 = arith.constant 3 : i32
      %dma_start3A_106 = arith.constant 1 : i32
      %dma_start3A_107 = arith.constant 0 : i32
      %dma_start3A_108 = tpu.memref_slice %arg6[%dma_start3A_105, %dma_start3A_106, %dma_start3A_107] : memref<4x2x64xi32, #tpu.memory_space<vmem>> -> memref<1x1x64xi32, #tpu.memory_space<vmem>>
      %dma_start3A_109 = tpu.memref_squeeze %dma_start3A_108 : memref<1x1x64xi32, #tpu.memory_space<vmem>> -> memref<64xi32, #tpu.memory_space<vmem>>
      %dma_start3A_110 = arith.constant 0 : i32
      %dma_start3A_111 = arith.constant 0 : i32
      %dma_start3A_112 = tpu.memref_slice %arg19[%dma_start3A_110, %dma_start3A_111] : memref<10240x128xf32, #tpu.memory_space<vmem_shared>> -> memref<10240x128xf32, #tpu.memory_space<vmem_shared>>
      tpu.enqueue_indirect_dma source(%arg10 : memref<64x128xf32, #tpu.memory_space<vmem>>) target(%dma_start3A_112 : memref<10240x128xf32, #tpu.memory_space<vmem_shared>>) offsets(%dma_start3A_109 : memref<64xi32, #tpu.memory_space<vmem>>) semaphore(%arg18 : memref<!tpu.dma_semaphore, #tpu.memory_space<semaphore_mem>>) {add = true}
      %dma_wait3A_113 = arith.constant 0 : i32
      %dma_wait3A_114 = arith.constant 1 : i32
      %dma_wait3A_115 = arith.constant 0 : i32
      %dma_wait3A_116 = tpu.memref_slice %arg6[%dma_wait3A_113, %dma_wait3A_114, %dma_wait3A_115] : memref<4x2x64xi32, #tpu.memory_space<vmem>> -> memref<1x1x64xi32, #tpu.memory_space<vmem>>
      %dma_wait3A_117 = tpu.memref_squeeze %dma_wait3A_116 : memref<1x1x64xi32, #tpu.memory_space<vmem>> -> memref<64xi32, #tpu.memory_space<vmem>>
      %dma_wait3A_118 = arith.constant 0 : i32
      %dma_wait3A_119 = arith.constant 0 : i32
      %dma_wait3A_120 = tpu.memref_slice %arg19[%dma_wait3A_118, %dma_wait3A_119] : memref<10240x128xf32, #tpu.memory_space<vmem_shared>> -> memref<10240x128xf32, #tpu.memory_space<vmem_shared>>
      tpu.wait_indirect_dma semaphore(%arg15 : memref<!tpu.dma_semaphore, #tpu.memory_space<semaphore_mem>>) src(%arg7 : memref<64x128xf32, #tpu.memory_space<vmem>>) dst(%dma_wait3A_120 : memref<10240x128xf32, #tpu.memory_space<vmem_shared>>)
      %dma_wait3A_121 = arith.constant 1 : i32
      %dma_wait3A_122 = arith.constant 1 : i32
      %dma_wait3A_123 = arith.constant 0 : i32
      %dma_wait3A_124 = tpu.memref_slice %arg6[%dma_wait3A_121, %dma_wait3A_122, %dma_wait3A_123] : memref<4x2x64xi32, #tpu.memory_space<vmem>> -> memref<1x1x64xi32, #tpu.memory_space<vmem>>
      %dma_wait3A_125 = tpu.memref_squeeze %dma_wait3A_124 : memref<1x1x64xi32, #tpu.memory_space<vmem>> -> memref<64xi32, #tpu.memory_space<vmem>>
      %dma_wait3A_126 = arith.constant 0 : i32
      %dma_wait3A_127 = arith.constant 0 : i32
      %dma_wait3A_128 = tpu.memref_slice %arg19[%dma_wait3A_126, %dma_wait3A_127] : memref<10240x128xf32, #tpu.memory_space<vmem_shared>> -> memref<10240x128xf32, #tpu.memory_space<vmem_shared>>
      tpu.wait_indirect_dma semaphore(%arg16 : memref<!tpu.dma_semaphore, #tpu.memory_space<semaphore_mem>>) src(%arg8 : memref<64x128xf32, #tpu.memory_space<vmem>>) dst(%dma_wait3A_128 : memref<10240x128xf32, #tpu.memory_space<vmem_shared>>)
      %dma_wait3A_129 = arith.constant 2 : i32
      %dma_wait3A_130 = arith.constant 1 : i32
      %dma_wait3A_131 = arith.constant 0 : i32
      %dma_wait3A_132 = tpu.memref_slice %arg6[%dma_wait3A_129, %dma_wait3A_130, %dma_wait3A_131] : memref<4x2x64xi32, #tpu.memory_space<vmem>> -> memref<1x1x64xi32, #tpu.memory_space<vmem>>
      %dma_wait3A_133 = tpu.memref_squeeze %dma_wait3A_132 : memref<1x1x64xi32, #tpu.memory_space<vmem>> -> memref<64xi32, #tpu.memory_space<vmem>>
      %dma_wait3A_134 = arith.constant 0 : i32
      %dma_wait3A_135 = arith.constant 0 : i32
      %dma_wait3A_136 = tpu.memref_slice %arg19[%dma_wait3A_134, %dma_wait3A_135] : memref<10240x128xf32, #tpu.memory_space<vmem_shared>> -> memref<10240x128xf32, #tpu.memory_space<vmem_shared>>
      tpu.wait_indirect_dma semaphore(%arg17 : memref<!tpu.dma_semaphore, #tpu.memory_space<semaphore_mem>>) src(%arg9 : memref<64x128xf32, #tpu.memory_space<vmem>>) dst(%dma_wait3A_136 : memref<10240x128xf32, #tpu.memory_space<vmem_shared>>)
      %dma_wait3A_137 = arith.constant 3 : i32
      %dma_wait3A_138 = arith.constant 1 : i32
      %dma_wait3A_139 = arith.constant 0 : i32
      %dma_wait3A_140 = tpu.memref_slice %arg6[%dma_wait3A_137, %dma_wait3A_138, %dma_wait3A_139] : memref<4x2x64xi32, #tpu.memory_space<vmem>> -> memref<1x1x64xi32, #tpu.memory_space<vmem>>
      %dma_wait3A_141 = tpu.memref_squeeze %dma_wait3A_140 : memref<1x1x64xi32, #tpu.memory_space<vmem>> -> memref<64xi32, #tpu.memory_space<vmem>>
      %dma_wait3A_142 = arith.constant 0 : i32
      %dma_wait3A_143 = arith.constant 0 : i32
      %dma_wait3A_144 = tpu.memref_slice %arg19[%dma_wait3A_142, %dma_wait3A_143] : memref<10240x128xf32, #tpu.memory_space<vmem_shared>> -> memref<10240x128xf32, #tpu.memory_space<vmem_shared>>
      tpu.wait_indirect_dma semaphore(%arg18 : memref<!tpu.dma_semaphore, #tpu.memory_space<semaphore_mem>>) src(%arg10 : memref<64x128xf32, #tpu.memory_space<vmem>>) dst(%dma_wait3A_144 : memref<10240x128xf32, #tpu.memory_space<vmem_shared>>)
    }
    %scan3A_11 = arith.constant 40 : i32
    %barrier3A_12 = arith.constant 0 : index
    tpu.barrier barrier_id(%barrier3A_12)
    %mul3A_13 = arith.constant 640 : i32
    %mul3A_14 = arith.muli %arg1, %mul3A_13 : i32
    %mul3A_15 = arith.constant 640 : i32
    %mul3A_16 = arith.muli %arg1, %mul3A_15 : i32
    "tpu.region"() ({
      %run_scoped3A = tpu.sem_alloc : memref<!tpu.dma_semaphore, #tpu.memory_space<semaphore_mem>>
      %dma_start3A = arith.constant 0 : i32
      %dma_start3A_17 = tpu.memref_slice %arg5[%arg0, %mul3A_16, %dma_start3A] : memref<2x10240x128xf32, #tpu.memory_space<hbm>> -> memref<1x640x128xf32, #tpu.memory_space<hbm>>
      %dma_start3A_18 = tpu.memref_squeeze %dma_start3A_17 : memref<1x640x128xf32, #tpu.memory_space<hbm>> -> memref<640x128xf32, #tpu.memory_space<hbm>>
      %dma_start3A_19 = arith.constant 0 : i32
      %dma_start3A_20 = tpu.memref_slice %arg19[%mul3A_14, %dma_start3A_19] : memref<10240x128xf32, #tpu.memory_space<vmem_shared>> -> memref<640x128xf32, #tpu.memory_space<vmem_shared>>
      tpu.enqueue_dma source(%dma_start3A_20 : memref<640x128xf32, #tpu.memory_space<vmem_shared>>) target(%dma_start3A_18 : memref<640x128xf32, #tpu.memory_space<hbm>>) target_semaphore(%run_scoped3A : memref<!tpu.dma_semaphore, #tpu.memory_space<semaphore_mem>>)
      %dma_wait3A = arith.constant 0 : i32
      %dma_wait3A_21 = tpu.memref_slice %arg5[%arg0, %mul3A_16, %dma_wait3A] : memref<2x10240x128xf32, #tpu.memory_space<hbm>> -> memref<1x640x128xf32, #tpu.memory_space<hbm>>
      %dma_wait3A_22 = tpu.memref_squeeze %dma_wait3A_21 : memref<1x640x128xf32, #tpu.memory_space<hbm>> -> memref<640x128xf32, #tpu.memory_space<hbm>>
      %dma_wait3A_23 = arith.constant 0 : i32
      %dma_wait3A_24 = tpu.memref_slice %arg19[%mul3A_14, %dma_wait3A_23] : memref<10240x128xf32, #tpu.memory_space<vmem_shared>> -> memref<640x128xf32, #tpu.memory_space<vmem_shared>>
      tpu.wait_dma2 semaphore(%run_scoped3A : memref<!tpu.dma_semaphore, #tpu.memory_space<semaphore_mem>>) src(%dma_wait3A_24 : memref<640x128xf32, #tpu.memory_space<vmem_shared>>) dst(%dma_wait3A_22 : memref<640x128xf32, #tpu.memory_space<hbm>>)
      tpu.yield
    }) : () -> ()
    return
  }
}

module attributes {stable_mosaic.version = 14 : i64} {
  func.func @body(%arg0: i32, %arg1: memref<512x128xf32, #tpu.memory_space<vmem>>, %arg2: memref<128x128xf32, #tpu.memory_space<vmem>>, %arg3: memref<2x512x128xf32, #tpu.memory_space<vmem>>, %arg4: memref<512x128xf32, #tpu.memory_space<vmem>>) attributes {dimension_semantics = [#tpu.dimension_semantics<arbitrary>], iteration_bounds = array<i64: 20>, scalar_prefetch = 0 : i64, scratch_operands = 0 : i64, tpu.core_type = #tpu.core_type<tc>, window_params = [{transform_indices = @transform_0, window_bounds = array<i64: 512, 128>}, {pipeline_mode = #tpu.pipeline_mode<synchronous>, transform_indices = @transform_1, window_bounds = array<i64: 128, 128>}, {transform_indices = @transform_2, window_bounds = array<i64: 2, 512, 128>}, {transform_indices = @transform_3, window_bounds = array<i64: 512, 128>}]} {
    %get3A = arith.constant 0 : index
    %get3A_0 = arith.constant 0 : index
    %get3A_1 = arith.constant 0 : index
    %get3A_2 = vector.load %arg3[%get3A, %get3A_0, %get3A_1] : memref<2x512x128xf32, #tpu.memory_space<vmem>>, vector<1x512x1xf32>
    %get3A_3 = vector.shape_cast %get3A_2 : vector<1x512x1xf32> to vector<512x1xf32>
    %get3A_4 = arith.constant 1 : index
    %get3A_5 = arith.constant 0 : index
    %get3A_6 = arith.constant 0 : index
    %get3A_7 = vector.load %arg3[%get3A_4, %get3A_5, %get3A_6] : memref<2x512x128xf32, #tpu.memory_space<vmem>>, vector<1x512x1xf32>
    %get3A_8 = vector.shape_cast %get3A_7 : vector<1x512x1xf32> to vector<512x1xf32>
    %add3A = arith.addf %get3A_3, %get3A_8 : vector<512x1xf32>
    %add3A_9 = arith.constant 1.000000e+00 : f32
    %add3A_10 = vector.broadcast %add3A_9 : f32 to vector<512x1xf32>
    %add3A_11 = arith.addf %add3A, %add3A_10 : vector<512x1xf32>
    %rsqrt3A = math.rsqrt %add3A_11 : vector<512x1xf32>
    %get3A_12 = arith.constant 0 : index
    %get3A_13 = arith.constant 0 : index
    %get3A_14 = vector.load %arg1[%get3A_12, %get3A_13] : memref<512x128xf32, #tpu.memory_space<vmem>>, vector<512x128xf32>
    %get3A_15 = arith.constant 0 : index
    %get3A_16 = arith.constant 0 : index
    %get3A_17 = vector.load %arg2[%get3A_15, %get3A_16] : memref<128x128xf32, #tpu.memory_space<vmem>>, vector<128x128xf32>
    %dot_general3A = arith.constant dense<0.000000e+00> : vector<512x128xf32>
    %dot_general3A_18 = tpu.matmul %get3A_14, %get3A_17, %dot_general3A {dimension_numbers = #tpu.dot_dimension_numbers<[1], [0], [0], [1], [0, 0, 1, 1], [], []>, precision = #tpu.contract_precision<fp32>, transpose_lhs_hint = false} : vector<512x128xf32>, vector<128x128xf32>, vector<512x128xf32> -> vector<512x128xf32>
    %mul3A = vector.broadcast %rsqrt3A : vector<512x1xf32> to vector<512x128xf32>
    %mul3A_19 = arith.mulf %mul3A, %dot_general3A_18 : vector<512x128xf32>
    %swap3A = arith.constant 0 : index
    %swap3A_20 = arith.constant 0 : index
    %swap3A_21 = vector.load %arg4[%swap3A, %swap3A_20] : memref<512x128xf32, #tpu.memory_space<vmem>>, vector<512x128xf32>
    tpu.vector_store %arg4[%swap3A, %swap3A_20], %mul3A_19 {strides = array<i32>} : memref<512x128xf32, #tpu.memory_space<vmem>>, vector<512x128xf32>,
    return
  }
  func.func @transform_0(%arg0: i32) -> (i32, i32) {
    %c0_i32 = arith.constant 0 : i32
    %c0_i32_0 = arith.constant 0 : i32
    return %arg0, %c0_i32 : i32, i32
  }
  func.func @transform_1(%arg0: i32) -> (i32, i32) {
    %c0_i32 = arith.constant 0 : i32
    %c0_i32_0 = arith.constant 0 : i32
    %c0_i32_1 = arith.constant 0 : i32
    return %c0_i32, %c0_i32_0 : i32, i32
  }
  func.func @transform_2(%arg0: i32) -> (i32, i32, i32) {
    %c0_i32 = arith.constant 0 : i32
    %c0_i32_0 = arith.constant 0 : i32
    %c0_i32_1 = arith.constant 0 : i32
    return %c0_i32, %arg0, %c0_i32_0 : i32, i32, i32
  }
  func.func @transform_3(%arg0: i32) -> (i32, i32) {
    %c0_i32 = arith.constant 0 : i32
    %c0_i32_0 = arith.constant 0 : i32
    return %arg0, %c0_i32 : i32, i32
  }
}

module attributes {stable_mosaic.version = 14 : i64} {
  func.func @body(%arg0: i32, %arg1: memref<2x512x128xf32, #tpu.memory_space<vmem>>, %arg2: memref<512x128xf32, #tpu.memory_space<vmem>>, %arg3: memref<2x512x128xf32, #tpu.memory_space<vmem>>, %arg4: memref<1x128xf32, #tpu.memory_space<vmem>>, %arg5: memref<128x128xf32, #tpu.memory_space<vmem>>, %arg6: memref<512x128xf32, #tpu.memory_space<vmem>>) attributes {dimension_semantics = [#tpu.dimension_semantics<arbitrary>], iteration_bounds = array<i64: 20>, scalar_prefetch = 0 : i64, scratch_operands = 0 : i64, tpu.core_type = #tpu.core_type<tc>, window_params = [{transform_indices = @transform_0, window_bounds = array<i64: 2, 512, 128>}, {transform_indices = @transform_1, window_bounds = array<i64: 512, 128>}, {transform_indices = @transform_2, window_bounds = array<i64: 2, 512, 128>}, {pipeline_mode = #tpu.pipeline_mode<synchronous>, transform_indices = @transform_3, window_bounds = array<i64: 1, 128>}, {pipeline_mode = #tpu.pipeline_mode<synchronous>, transform_indices = @transform_4, window_bounds = array<i64: 128, 128>}, {transform_indices = @transform_5, window_bounds = array<i64: 512, 128>}]} {
    %get3A = arith.constant 0 : index
    %get3A_0 = arith.constant 0 : index
    %get3A_1 = arith.constant 0 : index
    %get3A_2 = vector.load %arg3[%get3A, %get3A_0, %get3A_1] : memref<2x512x128xf32, #tpu.memory_space<vmem>>, vector<1x512x1xf32>
    %get3A_3 = vector.shape_cast %get3A_2 : vector<1x512x1xf32> to vector<512x1xf32>
    %get3A_4 = arith.constant 1 : index
    %get3A_5 = arith.constant 0 : index
    %get3A_6 = arith.constant 0 : index
    %get3A_7 = vector.load %arg3[%get3A_4, %get3A_5, %get3A_6] : memref<2x512x128xf32, #tpu.memory_space<vmem>>, vector<1x512x1xf32>
    %get3A_8 = vector.shape_cast %get3A_7 : vector<1x512x1xf32> to vector<512x1xf32>
    %add3A = arith.addf %get3A_3, %get3A_8 : vector<512x1xf32>
    %add3A_9 = arith.constant 1.000000e+00 : f32
    %add3A_10 = vector.broadcast %add3A_9 : f32 to vector<512x1xf32>
    %add3A_11 = arith.addf %add3A, %add3A_10 : vector<512x1xf32>
    %rsqrt3A = math.rsqrt %add3A_11 : vector<512x1xf32>
    %get3A_12 = arith.constant 0 : index
    %get3A_13 = arith.constant 0 : index
    %get3A_14 = arith.constant 0 : index
    %get3A_15 = vector.load %arg1[%get3A_12, %get3A_13, %get3A_14] : memref<2x512x128xf32, #tpu.memory_space<vmem>>, vector<1x512x128xf32>
    %get3A_16 = vector.shape_cast %get3A_15 : vector<1x512x128xf32> to vector<512x128xf32>
    %get3A_17 = arith.constant 1 : index
    %get3A_18 = arith.constant 0 : index
    %get3A_19 = arith.constant 0 : index
    %get3A_20 = vector.load %arg1[%get3A_17, %get3A_18, %get3A_19] : memref<2x512x128xf32, #tpu.memory_space<vmem>>, vector<1x512x128xf32>
    %get3A_21 = vector.shape_cast %get3A_20 : vector<1x512x128xf32> to vector<512x128xf32>
    %add3A_22 = arith.addf %get3A_16, %get3A_21 : vector<512x128xf32>
    %get3A_23 = arith.constant 0 : index
    %get3A_24 = arith.constant 0 : index
    %get3A_25 = vector.load %arg2[%get3A_23, %get3A_24] : memref<512x128xf32, #tpu.memory_space<vmem>>, vector<512x128xf32>
    %add3A_26 = arith.addf %add3A_22, %get3A_25 : vector<512x128xf32>
    %mul3A = vector.broadcast %rsqrt3A : vector<512x1xf32> to vector<512x128xf32>
    %mul3A_27 = arith.mulf %mul3A, %add3A_26 : vector<512x128xf32>
    %get3A_28 = arith.constant 0 : index
    %get3A_29 = arith.constant 0 : index
    %get3A_30 = vector.load %arg4[%get3A_28, %get3A_29] : memref<1x128xf32, #tpu.memory_space<vmem>>, vector<1x128xf32>
    %add3A_31 = vector.broadcast %get3A_30 : vector<1x128xf32> to vector<512x128xf32>
    %add3A_32 = arith.addf %mul3A_27, %add3A_31 : vector<512x128xf32>
    %max3A = arith.constant 0.000000e+00 : f32
    %max3A_33 = vector.broadcast %max3A : f32 to vector<512x128xf32>
    %max3A_34 = arith.maximumf %add3A_32, %max3A_33 : vector<512x128xf32>
    %get3A_35 = arith.constant 0 : index
    %get3A_36 = arith.constant 0 : index
    %get3A_37 = vector.load %arg5[%get3A_35, %get3A_36] : memref<128x128xf32, #tpu.memory_space<vmem>>, vector<128x128xf32>
    %dot_general3A = arith.constant dense<0.000000e+00> : vector<512x128xf32>
    %dot_general3A_38 = tpu.matmul %max3A_34, %get3A_37, %dot_general3A {dimension_numbers = #tpu.dot_dimension_numbers<[1], [0], [0], [1], [0, 0, 1, 1], [], []>, precision = #tpu.contract_precision<fp32>, transpose_lhs_hint = false} : vector<512x128xf32>, vector<128x128xf32>, vector<512x128xf32> -> vector<512x128xf32>
    %mul3A_39 = vector.broadcast %rsqrt3A : vector<512x1xf32> to vector<512x128xf32>
    %mul3A_40 = arith.mulf %mul3A_39, %dot_general3A_38 : vector<512x128xf32>
    %swap3A = arith.constant 0 : index
    %swap3A_41 = arith.constant 0 : index
    %swap3A_42 = vector.load %arg6[%swap3A, %swap3A_41] : memref<512x128xf32, #tpu.memory_space<vmem>>, vector<512x128xf32>
    tpu.vector_store %arg6[%swap3A, %swap3A_41], %mul3A_40 {strides = array<i32>} : memref<512x128xf32, #tpu.memory_space<vmem>>, vector<512x128xf32>,
    return
  }
  func.func @transform_0(%arg0: i32) -> (i32, i32, i32) {
    %c0_i32 = arith.constant 0 : i32
    %c0_i32_0 = arith.constant 0 : i32
    %c0_i32_1 = arith.constant 0 : i32
    return %c0_i32, %arg0, %c0_i32_0 : i32, i32, i32
  }
  func.func @transform_1(%arg0: i32) -> (i32, i32) {
    %c0_i32 = arith.constant 0 : i32
    %c0_i32_0 = arith.constant 0 : i32
    return %arg0, %c0_i32 : i32, i32
  }
  func.func @transform_2(%arg0: i32) -> (i32, i32, i32) {
    %c0_i32 = arith.constant 0 : i32
    %c0_i32_0 = arith.constant 0 : i32
    %c0_i32_1 = arith.constant 0 : i32
    return %c0_i32, %arg0, %c0_i32_0 : i32, i32, i32
  }
  func.func @transform_3(%arg0: i32) -> (i32, i32) {
    %c0_i32 = arith.constant 0 : i32
    %c0_i32_0 = arith.constant 0 : i32
    %c0_i32_1 = arith.constant 0 : i32
    return %c0_i32, %c0_i32_0 : i32, i32
  }
  func.func @transform_4(%arg0: i32) -> (i32, i32) {
    %c0_i32 = arith.constant 0 : i32
    %c0_i32_0 = arith.constant 0 : i32
    %c0_i32_1 = arith.constant 0 : i32
    return %c0_i32, %c0_i32_0 : i32, i32
  }
  func.func @transform_5(%arg0: i32) -> (i32, i32) {
    %c0_i32 = arith.constant 0 : i32
    %c0_i32_0 = arith.constant 0 : i32
    return %arg0, %c0_i32 : i32, i32
  }
}

module attributes {stable_mosaic.version = 14 : i64} {
  func.func @body(%arg0: i32, %arg1: memref<2x512x128xf32, #tpu.memory_space<vmem>>, %arg2: memref<512x128xf32, #tpu.memory_space<vmem>>, %arg3: memref<2x512x128xf32, #tpu.memory_space<vmem>>, %arg4: memref<1x128xf32, #tpu.memory_space<vmem>>, %arg5: memref<512x1xi32, #tpu.memory_space<vmem>>, %arg6: memref<16x128xf32, #tpu.memory_space<vmem>>, %arg7: memref<16x128xf32, #tpu.memory_space<vmem>>, %arg8: memref<16x128xf32, #tpu.memory_space<vmem>>) attributes {dimension_semantics = [#tpu.dimension_semantics<arbitrary>], iteration_bounds = array<i64: 20>, scalar_prefetch = 0 : i64, scratch_operands = 2 : i64, tpu.core_type = #tpu.core_type<tc>, window_params = [{transform_indices = @transform_0, window_bounds = array<i64: 2, 512, 128>}, {transform_indices = @transform_1, window_bounds = array<i64: 512, 128>}, {transform_indices = @transform_2, window_bounds = array<i64: 2, 512, 128>}, {pipeline_mode = #tpu.pipeline_mode<synchronous>, transform_indices = @transform_3, window_bounds = array<i64: 1, 128>}, {transform_indices = @transform_4, window_bounds = array<i64: 512, 1>}, {pipeline_mode = #tpu.pipeline_mode<synchronous>, transform_indices = @transform_5, window_bounds = array<i64: 16, 128>}]} {
    %eq3A = arith.constant 0 : i32
    %eq3A_0 = arith.cmpi eq, %arg0, %eq3A : i32
    %convert_element_type3A = arith.extui %eq3A_0 : i1 to i32
    %cond3A = arith.constant 0 : i32
    %cond3A_1 = arith.cmpi ne, %convert_element_type3A, %cond3A : i32
    scf.if %cond3A_1 {
      %broadcast_in_dim3A_66 = arith.constant 0.000000e+00 : f32
      %broadcast_in_dim3A_67 = vector.broadcast %broadcast_in_dim3A_66 : f32 to vector<16x128xf32>
      %swap3A_68 = arith.constant 0 : index
      %swap3A_69 = arith.constant 0 : index
      %swap3A_70 = vector.load %arg7[%swap3A_68, %swap3A_69] : memref<16x128xf32, #tpu.memory_space<vmem>>, vector<16x128xf32>
      tpu.vector_store %arg7[%swap3A_68, %swap3A_69], %broadcast_in_dim3A_67 {strides = array<i32>} : memref<16x128xf32, #tpu.memory_space<vmem>>, vector<16x128xf32>,
      %broadcast_in_dim3A_71 = arith.constant 0.000000e+00 : f32
      %broadcast_in_dim3A_72 = vector.broadcast %broadcast_in_dim3A_71 : f32 to vector<16x128xf32>
      %swap3A_73 = arith.constant 0 : index
      %swap3A_74 = arith.constant 0 : index
      %swap3A_75 = vector.load %arg8[%swap3A_73, %swap3A_74] : memref<16x128xf32, #tpu.memory_space<vmem>>, vector<16x128xf32>
      tpu.vector_store %arg8[%swap3A_73, %swap3A_74], %broadcast_in_dim3A_72 {strides = array<i32>} : memref<16x128xf32, #tpu.memory_space<vmem>>, vector<16x128xf32>,
    } else {
    }
    %get3A = arith.constant 0 : index
    %get3A_2 = arith.constant 0 : index
    %get3A_3 = arith.constant 0 : index
    %get3A_4 = vector.load %arg3[%get3A, %get3A_2, %get3A_3] : memref<2x512x128xf32, #tpu.memory_space<vmem>>, vector<1x512x1xf32>
    %get3A_5 = vector.shape_cast %get3A_4 : vector<1x512x1xf32> to vector<512x1xf32>
    %get3A_6 = arith.constant 1 : index
    %get3A_7 = arith.constant 0 : index
    %get3A_8 = arith.constant 0 : index
    %get3A_9 = vector.load %arg3[%get3A_6, %get3A_7, %get3A_8] : memref<2x512x128xf32, #tpu.memory_space<vmem>>, vector<1x512x1xf32>
    %get3A_10 = vector.shape_cast %get3A_9 : vector<1x512x1xf32> to vector<512x1xf32>
    %add3A = arith.addf %get3A_5, %get3A_10 : vector<512x1xf32>
    %add3A_11 = arith.constant 1.000000e+00 : f32
    %add3A_12 = vector.broadcast %add3A_11 : f32 to vector<512x1xf32>
    %add3A_13 = arith.addf %add3A, %add3A_12 : vector<512x1xf32>
    %rsqrt3A = math.rsqrt %add3A_13 : vector<512x1xf32>
    %get3A_14 = arith.constant 0 : index
    %get3A_15 = arith.constant 0 : index
    %get3A_16 = arith.constant 0 : index
    %get3A_17 = vector.load %arg1[%get3A_14, %get3A_15, %get3A_16] : memref<2x512x128xf32, #tpu.memory_space<vmem>>, vector<1x512x128xf32>
    %get3A_18 = vector.shape_cast %get3A_17 : vector<1x512x128xf32> to vector<512x128xf32>
    %get3A_19 = arith.constant 1 : index
    %get3A_20 = arith.constant 0 : index
    %get3A_21 = arith.constant 0 : index
    %get3A_22 = vector.load %arg1[%get3A_19, %get3A_20, %get3A_21] : memref<2x512x128xf32, #tpu.memory_space<vmem>>, vector<1x512x128xf32>
    %get3A_23 = vector.shape_cast %get3A_22 : vector<1x512x128xf32> to vector<512x128xf32>
    %add3A_24 = arith.addf %get3A_18, %get3A_23 : vector<512x128xf32>
    %get3A_25 = arith.constant 0 : index
    %get3A_26 = arith.constant 0 : index
    %get3A_27 = vector.load %arg2[%get3A_25, %get3A_26] : memref<512x128xf32, #tpu.memory_space<vmem>>, vector<512x128xf32>
    %add3A_28 = arith.addf %add3A_24, %get3A_27 : vector<512x128xf32>
    %mul3A = vector.broadcast %rsqrt3A : vector<512x1xf32> to vector<512x128xf32>
    %mul3A_29 = arith.mulf %mul3A, %add3A_28 : vector<512x128xf32>
    %get3A_30 = arith.constant 0 : index
    %get3A_31 = arith.constant 0 : index
    %get3A_32 = vector.load %arg4[%get3A_30, %get3A_31] : memref<1x128xf32, #tpu.memory_space<vmem>>, vector<1x128xf32>
    %add3A_33 = vector.broadcast %get3A_32 : vector<1x128xf32> to vector<512x128xf32>
    %add3A_34 = arith.addf %mul3A_29, %add3A_33 : vector<512x128xf32>
    %max3A = arith.constant 0.000000e+00 : f32
    %max3A_35 = vector.broadcast %max3A : f32 to vector<512x128xf32>
    %max3A_36 = arith.maximumf %add3A_34, %max3A_35 : vector<512x128xf32>
    %get3A_37 = arith.constant 0 : index
    %get3A_38 = arith.constant 0 : index
    %get3A_39 = vector.load %arg5[%get3A_37, %get3A_38] : memref<512x1xi32, #tpu.memory_space<vmem>>, vector<512x1xi32>
    %iota3A = tpu.iota {dimensions = array<i32: 1>} : vector<512x16xi32>
    %eq3A_40 = vector.broadcast %get3A_39 : vector<512x1xi32> to vector<512x16xi32>
    %eq3A_41 = arith.cmpi eq, %eq3A_40, %iota3A : vector<512x16xi32>
    %convert_element_type3A_42 = arith.extui %eq3A_41 : vector<512x16xi1> to vector<512x16xi32>
    %convert_element_type3A_43 = arith.sitofp %convert_element_type3A_42 : vector<512x16xi32> to vector<512x16xf32>
    %get3A_44 = arith.constant 0 : index
    %get3A_45 = arith.constant 0 : index
    %get3A_46 = vector.load %arg7[%get3A_44, %get3A_45] : memref<16x128xf32, #tpu.memory_space<vmem>>, vector<16x128xf32>
    %dot_general3A = arith.constant dense<0.000000e+00> : vector<16x128xf32>
    %dot_general3A_47 = tpu.matmul %convert_element_type3A_43, %max3A_36, %dot_general3A {dimension_numbers = #tpu.dot_dimension_numbers<[0], [0], [1], [1], [0, 1, 1, 1], [], []>, precision = #tpu.contract_precision<fp32>, transpose_lhs_hint = false} : vector<512x16xf32>, vector<512x128xf32>, vector<16x128xf32> -> vector<16x128xf32>
    %add3A_48 = arith.addf %get3A_46, %dot_general3A_47 : vector<16x128xf32>
    %swap3A = arith.constant 0 : index
    %swap3A_49 = arith.constant 0 : index
    %swap3A_50 = vector.load %arg7[%swap3A, %swap3A_49] : memref<16x128xf32, #tpu.memory_space<vmem>>, vector<16x128xf32>
    tpu.vector_store %arg7[%swap3A, %swap3A_49], %add3A_48 {strides = array<i32>} : memref<16x128xf32, #tpu.memory_space<vmem>>, vector<16x128xf32>,
    %get3A_51 = arith.constant 0 : index
    %get3A_52 = arith.constant 0 : index
    %get3A_53 = vector.load %arg8[%get3A_51, %get3A_52] : memref<16x128xf32, #tpu.memory_space<vmem>>, vector<16x128xf32>
    %broadcast_in_dim3A = arith.constant 1.000000e+00 : f32
    %broadcast_in_dim3A_54 = vector.broadcast %broadcast_in_dim3A : f32 to vector<512x128xf32>
    %dot_general3A_55 = arith.constant dense<0.000000e+00> : vector<16x128xf32>
    %dot_general3A_56 = tpu.matmul %convert_element_type3A_43, %broadcast_in_dim3A_54, %dot_general3A_55 {dimension_numbers = #tpu.dot_dimension_numbers<[0], [0], [1], [1], [0, 1, 1, 1], [], []>, precision = #tpu.contract_precision<fp32>, transpose_lhs_hint = false} : vector<512x16xf32>, vector<512x128xf32>, vector<16x128xf32> -> vector<16x128xf32>
    %add3A_57 = arith.addf %get3A_53, %dot_general3A_56 : vector<16x128xf32>
    %swap3A_58 = arith.constant 0 : index
    %swap3A_59 = arith.constant 0 : index
    %swap3A_60 = vector.load %arg8[%swap3A_58, %swap3A_59] : memref<16x128xf32, #tpu.memory_space<vmem>>, vector<16x128xf32>
    tpu.vector_store %arg8[%swap3A_58, %swap3A_59], %add3A_57 {strides = array<i32>} : memref<16x128xf32, #tpu.memory_space<vmem>>, vector<16x128xf32>,
    %eq3A_61 = arith.constant 19 : i32
    %eq3A_62 = arith.cmpi eq, %arg0, %eq3A_61 : i32
    %convert_element_type3A_63 = arith.extui %eq3A_62 : i1 to i32
    %cond3A_64 = arith.constant 0 : i32
    %cond3A_65 = arith.cmpi ne, %convert_element_type3A_63, %cond3A_64 : i32
    scf.if %cond3A_65 {
      %get3A_66 = arith.constant 0 : index
      %get3A_67 = arith.constant 0 : index
      %get3A_68 = vector.load %arg7[%get3A_66, %get3A_67] : memref<16x128xf32, #tpu.memory_space<vmem>>, vector<16x128xf32>
      %get3A_69 = arith.constant 0 : index
      %get3A_70 = arith.constant 0 : index
      %get3A_71 = vector.load %arg8[%get3A_69, %get3A_70] : memref<16x128xf32, #tpu.memory_space<vmem>>, vector<16x128xf32>
      %max3A_72 = arith.constant 1.000000e+00 : f32
      %max3A_73 = vector.broadcast %max3A_72 : f32 to vector<16x128xf32>
      %max3A_74 = arith.maximumf %get3A_71, %max3A_73 : vector<16x128xf32>
      %div3A = arith.divf %get3A_68, %max3A_74 : vector<16x128xf32>
      %swap3A_75 = arith.constant 0 : index
      %swap3A_76 = arith.constant 0 : index
      %swap3A_77 = vector.load %arg6[%swap3A_75, %swap3A_76] : memref<16x128xf32, #tpu.memory_space<vmem>>, vector<16x128xf32>
      tpu.vector_store %arg6[%swap3A_75, %swap3A_76], %div3A {strides = array<i32>} : memref<16x128xf32, #tpu.memory_space<vmem>>, vector<16x128xf32>,
    } else {
    }
    return
  }
  func.func @transform_0(%arg0: i32) -> (i32, i32, i32) {
    %c0_i32 = arith.constant 0 : i32
    %c0_i32_0 = arith.constant 0 : i32
    %c0_i32_1 = arith.constant 0 : i32
    return %c0_i32, %arg0, %c0_i32_0 : i32, i32, i32
  }
  func.func @transform_1(%arg0: i32) -> (i32, i32) {
    %c0_i32 = arith.constant 0 : i32
    %c0_i32_0 = arith.constant 0 : i32
    return %arg0, %c0_i32 : i32, i32
  }
  func.func @transform_2(%arg0: i32) -> (i32, i32, i32) {
    %c0_i32 = arith.constant 0 : i32
    %c0_i32_0 = arith.constant 0 : i32
    %c0_i32_1 = arith.constant 0 : i32
    return %c0_i32, %arg0, %c0_i32_0 : i32, i32, i32
  }
  func.func @transform_3(%arg0: i32) -> (i32, i32) {
    %c0_i32 = arith.constant 0 : i32
    %c0_i32_0 = arith.constant 0 : i32
    %c0_i32_1 = arith.constant 0 : i32
    return %c0_i32, %c0_i32_0 : i32, i32
  }
  func.func @transform_4(%arg0: i32) -> (i32, i32) {
    %c0_i32 = arith.constant 0 : i32
    %c0_i32_0 = arith.constant 0 : i32
    return %arg0, %c0_i32 : i32, i32
  }
  func.func @transform_5(%arg0: i32) -> (i32, i32) {
    %c0_i32 = arith.constant 0 : i32
    %c0_i32_0 = arith.constant 0 : i32
    %c0_i32_1 = arith.constant 0 : i32
    return %c0_i32, %c0_i32_0 : i32, i32
  }
}

</mosaic_0001>

<sc_bundles>
// kernel: kernel.11.cloned.1.call-start
scs
__scs_entry_jumppad:
0x0: {  	(pc) =	sbr.rel $0x88, $3  }
0x1: {  	(tag) =	ssettag $0x0;
	lr =	simm.s32 $0x1  }
0x2: {  	[smem:$0x3F9A] =	sst lr;
	_ =	strace $0xD0000000  }
0x3: {  	_ = 	snop  }
0x4: {  	_ = 	snop  }
0x5: {  	_ = 	snop  }
0x6: {  	_ = 	snop  }
0x7: {  	_ = 	snop  }
__scs_overlays_trampoline_lowered:
0x8: {  	[smem:$0x3FA9] =	sst s0  }
0x9: {  	[smem:$0x3FAA] =	sst s1  }
0xa: {  	[smem:$0x3FAB] =	sst s2  }
0xb: {  	[smem:$0x3FAC] =	sst s3  }
0xc: {  	[smem:$0x3FAD] =	sst s4  }
0xd: {  	[smem:$0x3FAE] =	sst s5  }
0xe: {  	[smem:$0x3FAF] =	sst s6  }
0xf: {  	[smem:$0x3FB0] =	sst s7  }
0x10: {  	[smem:$0x3FB1] =	sst s8  }
0x11: {  	[smem:$0x3FB2] =	sst s9;
	s0 =	simm.s32 @!p0 $0x0  }
0x12: {  	s1 =	sld [smem:$0x3F98];
	s0 =	simm.s32 @p0 $0x1  }
0x13: {  	[smem:$0x3FB3] =	sst s0;
	s0 =	simm.s32 @!p1 $0x0  }
0x14: {  	s2 =	sld [smem:$0x3F97];
	s0 =	simm.s32 @p1 $0x1  }
0x15: {  	[smem:$0x3FB4] =	sst s0;
	s0 =	simm.s32 @!p2 $0x0  }
0x16: {  	s3 =	sld [smem:$0x3FDB];
	s0 =	simm.s32 @p2 $0x1  }
0x17: {  	s4 =	simm.s32 $0x1BF5;
	[smem:$0x3FB6] =	sst s0  }
0x18: {  	s0 =	sld [smem:$0x3F99];
	_ =	swait.ge [sflag:s4], $0x0  }
0x19: {  	s7 =	sld [smem:$0x3F9A]  }
0x1a: {  	s8 =	sadd.s32 $0xFFFFE003, lr  }
0x1b: {  	s9 =	sadd.s32 $0xFFFFFEF7, lr;
	s5 =	simm.s32 $0xFFFFFFFF;
	p2 =	slt.u32 s8, $0xFFFFF086  }
0x1c: {  	p1 =	slt.u32 s9, $0xF7A;
	s5 =	simm.s32 @!p2 $0x0  }
0x1d: {  	s5 =	simm.s32 @p1 $0x1;
	p0 =	seq.s32 s7, s2  }
0x1e: {  	s7 =	smul.u32 @!p0 $0xF7A, s2;
	p2 =	seq.s32 @!p0 s5, $0x0  }
0x1f: {  	s9 =	smul.u32 $0xF7A, s1;
	s8 =	simm.s32 @!p0 $0x1BF5;
	p2 =	por !p2, p0  }
0x20: {  	[sflag:s8] =	ssyncset.s32 @!p0 $0xFFFFF086;
	s6 =	sadd.s32 @!p0 s3, s7;
	s7 =	simm.s32 @!p0 $0x108  }
0x21: {  	s3 =	sadd.s32 s3, s9;
	s6 =	sadd.s32 @!p0 $0x88, s6;
	s7 =	simm.s32 @p2 $0x1082  }
0x22: {  	[simem:s7], [sflag:s8] =	dma.local @!p0 [hbm:s6], $0xF7A  }
0x23: {  	s9 =	sor.u32 $0xD0000000, s2;
	s6 =	simm.s32 $0x108;
	_ =	swait.ge @!p0 [sflag:s8], $0x0  }
0x24: {  	s3 =	sadd.s32 $0x88, s3;
	s6 =	simm.s32 @!p1 $0x1082;
	[sflag:s4] =	ssyncset.s32 $0xFFFFF086  }
0x25: {  	[simem:s6], [sflag:s4] =	dma.local [hbm:s3], $0xF7A  }
0x26: {  	[smem:$0x3F9A] =	sst s1;
	(tag) =	ssettag s2;
	_ =	strace s9  }
0x27: {  	s1 =	sld [smem:$0x3FAA]  }
0x28: {  	s2 =	sld [smem:$0x3FAB]  }
0x29: {  	s4 =	sld [smem:$0x3FAD]  }
0x2a: {  	p0 =	seq.s32 s5, $0x0;
	s5 =	sld [smem:$0x3FAE]  }
0x2b: {  	s6 =	sld [smem:$0x3FAF]  }
0x2c: {  	s7 =	sld [smem:$0x3FB0]  }
0x2d: {  	s3 =	simm.s32 $0x108;
	s8 =	sld [smem:$0x3FB1]  }
0x2e: {  	s3 =	simm.s32 @!p0 $0x1082;
	s9 =	sld [smem:$0x3FB2]  }
0x2f: {  	lr =	sadd.s32 s0, s3;
	s0 =	sld [smem:$0x3FA9]  }
0x30: {  	s3 =	sld [smem:$0x3FAC]  }
0x31: {  	[smem:$0x3FB5] =	sst s10  }
0x32: {  	s10 =	sld [smem:$0x3FB3];
	_ =	sdelay $0x3  }
0x33: {  	p0 =	seq.s32 s10, $0x1;
	s10 =	sld [smem:$0x3FB5];
	_ =	sdelay $0x3  }
0x34: {  	[smem:$0x3FB5] =	sst s10  }
0x35: {  	s10 =	sld [smem:$0x3FB4];
	_ =	sdelay $0x3  }
0x36: {  	p1 =	seq.s32 s10, $0x1;
	s10 =	sld [smem:$0x3FB5];
	_ =	sdelay $0x3  }
0x37: {  	[smem:$0x3FB5] =	sst s10  }
0x38: {  	s10 =	sld [smem:$0x3FB6]  }
0x39: {  	_ = 	snop;
	(pc) =	sbr.ind lr, $3  }
0x3a: {  	_ = 	snop  }
0x3b: {  	_ = 	snop  }
0x3c: {  	p2 =	seq.s32 s10, $0x1;
	s10 =	sld [smem:$0x3FB5]  }
0x3d: {  	_ =	shalt  }
0x3e: {  	_ =	shalt  }
0x3f: {  	_ =	shalt  }
0x40: {  	_ =	shalt  }
0x41: {  	_ =	shalt  }
0x42: {  	_ =	shalt  }
0x43: {  	_ =	shalt  }
0x44: {  	_ =	shalt  }
0x45: {  	_ =	shalt  }
0x46: {  	_ =	shalt  }
0x47: {  	_ =	shalt  }
0x48: {  	_ =	shalt  }
0x49: {  	_ =	shalt  }
0x4a: {  	_ =	shalt  }
0x4b: {  	_ =	shalt  }
0x4c: {  	_ =	shalt  }
0x4d: {  	_ =	shalt  }
0x4e: {  	_ =	shalt  }
0x4f: {  	_ =	shalt  }
0x50: {  	_ =	shalt  }
0x51: {  	_ =	shalt  }
0x52: {  	_ =	shalt  }
0x53: {  	_ =	shalt  }
0x54: {  	_ =	shalt  }
0x55: {  	_ =	shalt  }
0x56: {  	_ =	shalt  }
0x57: {  	_ =	shalt  }
0x58: {  	_ =	shalt  }
0x59: {  	_ =	shalt  }
0x5a: {  	_ =	shalt  }
0x5b: {  	_ =	shalt  }
0x5c: {  	_ =	shalt  }
0x5d: {  	_ =	shalt  }
0x5e: {  	_ =	shalt  }
0x5f: {  	_ =	shalt  }
0x60: {  	_ =	shalt  }
0x61: {  	_ =	shalt  }
0x62: {  	_ =	shalt  }
0x63: {  	_ =	shalt  }
0x64: {  	_ =	shalt  }
0x65: {  	_ =	shalt  }
0x66: {  	_ =	shalt  }
0x67: {  	_ =	shalt  }
0x68: {  	_ =	shalt  }
0x69: {  	_ =	shalt  }
0x6a: {  	_ =	shalt  }
0x6b: {  	_ =	shalt  }
0x6c: {  	_ =	shalt  }
0x6d: {  	_ =	shalt  }
0x6e: {  	_ =	shalt  }
0x6f: {  	_ =	shalt  }
0x70: {  	_ =	shalt  }
0x71: {  	_ =	shalt  }
0x72: {  	_ =	shalt  }
0x73: {  	_ =	shalt  }
0x74: {  	_ =	shalt  }
0x75: {  	_ =	shalt  }
0x76: {  	_ =	shalt  }
0x77: {  	_ =	shalt  }
0x78: {  	_ =	shalt  }
0x79: {  	_ =	shalt  }
0x7a: {  	_ =	shalt  }
0x7b: {  	_ =	shalt  }
0x7c: {  	_ =	shalt  }
0x7d: {  	_ =	shalt  }
0x7e: {  	_ =	shalt  }
0x7f: {  	_ =	shalt  }
0x80: {  	_ =	shalt  }
0x81: {  	_ =	shalt  }
0x82: {  	_ =	shalt  }
0x83: {  	_ =	shalt  }
0x84: {  	_ =	shalt  }
0x85: {  	_ =	shalt  }
0x86: {  	_ =	shalt  }
0x87: {  	_ =	shalt  }
.Lfunc_end0:
.L_simem_size_0:
called_computation.1_lowered:
.L_overlay_start_0:
0x88: {  	s2 =	sld [smem:$0x3FD9]  }
0x89: {  	s3 =	sld [smem:$0x3FFE];
	_ =	sdelay $0x1  }
0x8a: {  	s1 =	srdreg.scid  }
0x8b: {  	s0 =	sand.u32 $0x1, s1  }
0x8c: {  	s16 =	sshll.u32 s0, $0xA;
	s2 =	sadd.s32 s3, s2  }
0x8d: {  	s2 =	sadd.s32 s2, s16  }
0x8e: {  	[smem:$0x3FC1] =	sst s2  }
0x8f: {  	_ = 	snop  }
0x90: {  	(tm) =	ssettm $0x1  }
0x91: {  	s17 =	sld [smem:$0x3FFB];
	_ =	sdelay $0x3  }
0x92: {  	_ =	strace s17  }
0x93: {  	s2 =	sld [smem:$0x3FFC];
	_ =	sdelay $0x3  }
0x94: {  	_ =	strace s2  }
0x95: {  	s2 =	sld [smem:$0x3FFD];
	_ =	sdelay $0x3  }
0x96: {  	_ =	strace s2  }
0x97: {  	_ =	strace $0x8FFFFFFF  }
0x98: {  	s18 =	sld [smem:$0x3FDB];
	_ =	sdelay $0x1  }
0x99: {  	s19 =	simm.s32 $_scs_section_size  }
0x9a: {  	s4 =	simm.s32 $_size__tile_overlayer_lowered;
	s5 =	simm.s32 $_tile_overlayer_lowered  }
0x9b: {  	s22 =	simm.s32 $0x1BFF;
	s21 =	sshll.u32 s5, $0x1;
	s2 =	sadd.s32 s19, s18  }
0x9c: {  	s6 =	simm.s32 $0x0;
	s20 =	sshll.u32 s4, $0x1;
	s4 =	sadd.s32 s21, s2  }
0x9d: {  	[timem:s6], [sflag:s22] =	dma.local [hbm:s4], s20  }
0x9e: {  	_ =	swait.ge [sflag:s22], s20  }
0x9f: {  	s3 =	ssub.s32 $0x0, s20;
	[sflag:s22] =	ssyncset.done $0x0  }
0xa0: {  	[sflag:s22] =	ssyncadd.s32 s3;
	_ =	sdelay $0x1  }
0xa1: {  	s23 =	simm.s32 $0x1B8B  }
0xa2: {  	_ =	swait.ge [sflag:s23], $0x1  }
0xa3: {  	[sflag:s23] =	ssyncset.done $0x0  }
0xa4: {  	s25 =	simm.s32 $0x1B8E;
	s24 =	sld [smem:$0x3FFE];
	[sflag:s23] =	ssyncadd.s32 $0xFFFFFFFF  }
0xa5: {  	s26 =	simm.s32 $execute0_lowered;
	[smem:$0x3FD2] =	sst s25  }
0xa6: {  	s4 =	sshll.u32 s26, $0x1;
	_ =	strace $0x80000049;
	[dreg:$0x1] =	wrdreg $0xFFFFFFFF  }
0xa7: {  	s28 =	simm.s32 $_size_execute0_lowered;
	s2 =	sadd.s32 s2, s4;
	[dreg:$0x0] =	wrdreg $0x0  }
0xa8: {  	s4 =	sshll.u32 s28, $0x1;
	[dreg:$0x2] =	wrdreg s2  }
0xa9: {  	[dreg:$0x3] =	wrdreg s4  }
0xaa: {  	[dreg:$0x4] =	wrdreg $0xC0  }
0xab: {  	_ =	task [dreg:s6], $0x5FFFF  }
0xac: {  	[dreg:$0x1] =	wrdreg $0xFFFFFFFF  }
0xad: {  	[dreg:$0x0] =	wrdreg $0x60  }
0xae: {  	[dreg:$0x2] =	wrdreg s24  }
0xaf: {  	[dreg:$0x3] =	wrdreg $0x84000  }
0xb0: {  	[dreg:$0x4] =	wrdreg $0x9  }
0xb1: {  	_ =	task.clear_ibuf [dreg:s6], $0x5FFFF;
	_ =	strace $0x90000049  }
0xb2: {  	s29 =	simm.s32 $0x9;
	_ =	strace $0x8000004B  }
0xb3: {  	_ =	swait.ge [sflag:s29], $0x1  }
0xb4: {  	[sflag:s29] =	ssyncadd.s32 $0xFFFFFFFF  }
0xb5: {  	_ =	strace $0x9000004B  }
0xb6: {  	_ =	sfence  }
0xb7: {  	s30 =	sld [smem:$0x0];
	_ =	sdelay $0x2  }
0xb8: {  	s31 =	sshll.u32 s1, $0xD;
	s1 =	sshrl.u32 s1, $0x2  }
0xb9: {  	s3 =	sand.u32 $0x4000, s31;
	s1 =	sadd.s32 s1, s30  }
0xba: {  	s0 =	sor.u32 s3, s0;
	s1 =	sshll.u32 s1, $0x11  }
0xbb: {  	s0 =	sor.u32 s1, s0  }
0xbc: {  	s0 =	sadd.s32 $0x8F2B, s0  }
0xbd: {  	[sflag:s0] =	ssyncadd.remote.s32 $0x1  }
0xbe: {  	_ =	sfence.sel $0xFFFF  }
0xbf: {  	[dreg:$0x0] =	wrdreg $0xFFFFFFFF;
	(pc) =	sbr.abs _section_cstart, $3  }
0xc0: {  	[dreg:$0x1] =	wrdreg $0xFFFFFFFF  }
0xc1: {  	_ =	task.clear_ibuf [dreg:s6], $0x2FFFF;
	_ =	strace $0x9FFFFFFF  }
0xc2: {  	(tm) =	ssettm $0x7FFFFFFF  }
0xc3: {  	_ =	shalt  }
tec
execute0_lowered:
.L_overlay_start_1:
0x0: {  	(tag) =	ssettag $0x1  }
0x1: {  	s0 =	rddreg [dreg:$0x0]  }
0x2: {  	s2 =	rddreg [dreg:$0x1]  }
0x3: {  	s11 =	stileid.u32;
	s4 =	srdreg.scid;
	s3 =	simm.s32 $0x0  }
0x4: {  	s12 =	simm.s32 $0x40;
	s13 =	simm.s32 $0x400;
	s14 =	simm.s32 $0x100  }
0x5: {  	s15 =	simm.s32 $0x2400;
	s16 =	simm.s32 $0x200;
	s17 =	simm.s32 $0x4400  }
0x6: {  	s18 =	simm.s32 $0x300;
	s28 =	simm.s32 $0x380;
	s29 =	simm.s32 $0x5  }
0x7: {  	s30 =	simm.s32 $0x6;
	s31 =	simm.s32 $0x7;
	s1 =	smul.u32 $0x2800, s11  }
0x8: {  	s5 =	smul.u32 $0x14000, s11;
	s6 =	sand.u32 $0x1, s4;
	[smem:$0x7FF] =	sst s3  }
0x9: {  	s4 =	sadd.s32 $0xA2800, s0;
	s10 =	smul.u32 $0x50000, s11;
	s22 =	sshll.u32 s11, $0x6  }
0xa: {  	s11 =	simm.s32 $0x9;
	s7 =	smul.u32 $0x140000, s6;
	_ =	strace $0x8000004A  }
0xb: {  	s19 =	ssub.s32 $0x2, s6;
	s23 =	smul.u32 $0x1400, s6;
	s6 =	sor.u32 $0x1C09, s22  }
0xc: {  	s22 =	simm.s32 $0x2;
	s1 =	sadd.s32 s1, s0;
	s8 =	sshrl.u32 s5, $0x3  }
0xd: {  	s9 =	sshrl.u32 s19, $0x1;
	s21 =	sshrl.u32 s10, $0x2;
	s5 =	sadd.s32 s5, s7  }
0xe: {  	s8 =	sadd.s32 s8, s0;
	s20 =	ssub.s32 s19, s9;
	s7 =	sadd.s32 s21, s2  }
0xf: {  	s26 =	sadd.s32 s23, s1;
	s19 =	simm.s32 $0x6400;
	s21 =	simm.s32 $0x80  }
0x10: {  	s23 =	simm.s32 $0x180;
	s1 =	simm.s32 $0x0;
	s5 =	sshrl.u32 s5, $0x3  }
0x11: {  	s24 =	sadd.s32 $0x2A400, s8;
	s25 =	smax.u32 s20, $0x1;
	s9 =	sadd.s32 $0x2400, s26  }
0x12: {  	s7 =	sshrl.u32 s7, $0x3;
	s20 =	simm.s32 $0x1;
	[dreg:$0x3] =	wrdreg s24  }
0x13: {  	s26 =	simm.s32 $0x4;
	s0 =	sadd.s32 s5, s0;
	[dreg:$0x5] =	wrdreg s25  }
0x14: {  	s24 =	simm.s32 $0x3;
	[dreg:$0x6] =	wrdreg s7;
	s0 =	sadd.s32 $0xCA800, s0  }
0x15: {  	s25 =	simm.s32 $0x280;
	[dreg:$0x4] =	wrdreg s0;
	s0 =	simm.s32 $0x8  }
.LBB2_1:
0x16: {  	s5 =	rddreg [dreg:$0x3]  }
0x17: {  	[spmem:s7], [sflag:s6] =	dma.local [hbm:s5], $0x2800  }
0x18: {  	_ =	swait.ge [sflag:s11], $0x2800  }
0x19: {  	[sflag:s11] =	ssyncset.done $0x0  }
0x1a: {  	[sflag:s11] =	ssyncadd.s32 $0xFFFFD800  }
0x1b: {  	s8 =	sadd.s32 $0x0, s9;
	[bflag:$0x0] =	sbarrier.arrive $0xFFFF  }
0x1c: {  	[tilespmem:s3], [sflag:$0x9] =	stream.linear.gather [hbm4b:s8+s3], $0x400, $0x38;
	[tilespmem:$0x1C400] =	vst v63  }
0x1d: {  	_ =	swait.ge [sflag:s11], $0x400  }
0x1e: {  	[sflag:s11] =	ssyncset.done $0x0  }
0x1f: {  	[sflag:s11] =	ssyncadd.s32 $0xFFFFFC00  }
0x20: {  	[tilespmem:s13], [sflag:$0x1] =	stream.indirect.gather [hbm4b:s4+s12], $0x80, s3, s12, $0xb8;
	[tilespmem:$0x1C400] =	vst v63  }
0x21: {  	_ = 	snop  }
0x22: {  	[tilespmem:s15], [sflag:$0x2] =	stream.indirect.gather [hbm4b:s4+s12], $0x80, s14, s12, $0xb8;
	[tilespmem:$0x1C400] =	vst v63  }
0x23: {  	_ = 	snop  }
0x24: {  	[tilespmem:s17], [sflag:$0x3] =	stream.indirect.gather [hbm4b:s4+s12], $0x80, s16, s12, $0xb8;
	[tilespmem:$0x1C400] =	vst v63  }
0x25: {  	_ = 	snop  }
0x26: {  	[tilespmem:s19], [sflag:$0x4] =	stream.indirect.gather [hbm4b:s4+s12], $0x80, s18, s12, $0xb8;
	[tilespmem:$0x1C400] =	vst v63  }
0x27: {  	_ =	swait.ge [sflag:s20], $0x2000  }
0x28: {  	[sflag:s20] =	ssyncset.done $0x0  }
0x29: {  	[sflag:s20] =	ssyncadd.s32 $0xFFFFE000  }
0x2a: {  	[spmem:s2] =	stream.indirect.scatter.add.f32 [tilespmem:s13], [sflag:$0x5], $0x80, s21, s12, $0xb8;
	[tilespmem:$0x1C400] =	vst v63  }
0x2b: {  	_ =	swait.ge [sflag:s22], $0x2000  }
0x2c: {  	[sflag:s22] =	ssyncset.done $0x0  }
0x2d: {  	[sflag:s22] =	ssyncadd.s32 $0xFFFFE000  }
0x2e: {  	[spmem:s2] =	stream.indirect.scatter.add.f32 [tilespmem:s15], [sflag:$0x6], $0x80, s23, s12, $0xb8;
	[tilespmem:$0x1C400] =	vst v63  }
0x2f: {  	_ =	swait.ge [sflag:s24], $0x2000  }
0x30: {  	[sflag:s24] =	ssyncset.done $0x0  }
0x31: {  	[sflag:s24] =	ssyncadd.s32 $0xFFFFE000  }
0x32: {  	[spmem:s2] =	stream.indirect.scatter.add.f32 [tilespmem:s17], [sflag:$0x7], $0x80, s25, s12, $0xb8;
	[tilespmem:$0x1C400] =	vst v63  }
0x33: {  	_ =	swait.ge [sflag:s26], $0x2000  }
0x34: {  	[sflag:s26] =	ssyncset.done $0x0  }
0x35: {  	[sflag:s26] =	ssyncadd.s32 $0xFFFFE000  }
0x36: {  	[spmem:s2] =	stream.indirect.scatter.add.f32 [tilespmem:s19], [sflag:$0x8], $0x80, s28, s12, $0xb8;
	[tilespmem:$0x1C400] =	vst v63  }
0x37: {  	_ =	swait.ge [sflag:s29], $0x2000  }
0x38: {  	[sflag:s29] =	ssyncset.done $0x0  }
0x39: {  	[sflag:s29] =	ssyncadd.s32 $0xFFFFE000  }
0x3a: {  	_ =	swait.ge [sflag:s30], $0x2000  }
0x3b: {  	[sflag:s30] =	ssyncset.done $0x0  }
0x3c: {  	[sflag:s30] =	ssyncadd.s32 $0xFFFFE000  }
0x3d: {  	_ =	swait.ge [sflag:s31], $0x2000  }
0x3e: {  	[sflag:s31] =	ssyncset.done $0x0  }
0x3f: {  	[sflag:s31] =	ssyncadd.s32 $0xFFFFE000  }
0x40: {  	s10 =	smov.u32 s6;
	_ =	swait.ge [sflag:s0], $0x2000  }
0x41: {  	s5 =	simm.s32 $0x80;
	s7 =	simm.s32 $0x100;
	[sflag:s0] =	ssyncset.done $0x0  }
.LBB2_2:
0x42: {  	s6 =	sadd.s32 s5, s9  }
0x43: {  	[sflag:s0] =	ssyncadd.s32 $0xFFFFE000;
	s5 =	smov.u32 s7;
	s8 =	sadd.s32 $0x80, s7  }
0x44: {  	[tilespmem:s3], [sflag:$0x9] =	stream.linear.gather [hbm4b:s6+s3], $0x400, $0x38;
	[tilespmem:$0x1C400] =	vst v63  }
0x45: {  	p0 =	sne.s32 s7, $0x1380;
	_ =	swait.ge [sflag:s11], $0x400  }
0x46: {  	[sflag:s11] =	ssyncset.done $0x0  }
0x47: {  	[sflag:s11] =	ssyncadd.s32 $0xFFFFFC00  }
0x48: {  	[tilespmem:s13], [sflag:$0x1] =	stream.indirect.gather [hbm4b:s4+s12], $0x80, s3, s12, $0xb8;
	[tilespmem:$0x1C400] =	vst v63  }
0x49: {  	_ = 	snop  }
0x4a: {  	[tilespmem:s15], [sflag:$0x2] =	stream.indirect.gather [hbm4b:s4+s12], $0x80, s14, s12, $0xb8;
	[tilespmem:$0x1C400] =	vst v63  }
0x4b: {  	_ = 	snop  }
0x4c: {  	[tilespmem:s17], [sflag:$0x3] =	stream.indirect.gather [hbm4b:s4+s12], $0x80, s16, s12, $0xb8;
	[tilespmem:$0x1C400] =	vst v63  }
0x4d: {  	_ = 	snop  }
0x4e: {  	[tilespmem:s19], [sflag:$0x4] =	stream.indirect.gather [hbm4b:s4+s12], $0x80, s18, s12, $0xb8;
	[tilespmem:$0x1C400] =	vst v63  }
0x4f: {  	_ =	swait.ge [sflag:s20], $0x2000  }
0x50: {  	[sflag:s20] =	ssyncset.done $0x0  }
0x51: {  	[sflag:s20] =	ssyncadd.s32 $0xFFFFE000  }
0x52: {  	[spmem:s2] =	stream.indirect.scatter.add.f32 [tilespmem:s13], [sflag:$0x5], $0x80, s21, s12, $0xb8;
	[tilespmem:$0x1C400] =	vst v63  }
0x53: {  	_ =	swait.ge [sflag:s22], $0x2000  }
0x54: {  	[sflag:s22] =	ssyncset.done $0x0  }
0x55: {  	[sflag:s22] =	ssyncadd.s32 $0xFFFFE000  }
0x56: {  	[spmem:s2] =	stream.indirect.scatter.add.f32 [tilespmem:s15], [sflag:$0x6], $0x80, s23, s12, $0xb8;
	[tilespmem:$0x1C400] =	vst v63  }
0x57: {  	_ =	swait.ge [sflag:s24], $0x2000  }
0x58: {  	[sflag:s24] =	ssyncset.done $0x0  }
0x59: {  	[sflag:s24] =	ssyncadd.s32 $0xFFFFE000  }
0x5a: {  	[spmem:s2] =	stream.indirect.scatter.add.f32 [tilespmem:s17], [sflag:$0x7], $0x80, s25, s12, $0xb8;
	[tilespmem:$0x1C400] =	vst v63  }
0x5b: {  	_ =	swait.ge [sflag:s26], $0x2000  }
0x5c: {  	[sflag:s26] =	ssyncset.done $0x0  }
0x5d: {  	[sflag:s26] =	ssyncadd.s32 $0xFFFFE000  }
0x5e: {  	[spmem:s2] =	stream.indirect.scatter.add.f32 [tilespmem:s19], [sflag:$0x8], $0x80, s28, s12, $0xb8;
	[tilespmem:$0x1C400] =	vst v63  }
0x5f: {  	_ =	swait.ge [sflag:s29], $0x2000  }
0x60: {  	[sflag:s29] =	ssyncset.done $0x0  }
0x61: {  	[sflag:s29] =	ssyncadd.s32 $0xFFFFE000  }
0x62: {  	_ =	swait.ge [sflag:s30], $0x2000  }
0x63: {  	[sflag:s30] =	ssyncset.done $0x0  }
0x64: {  	[sflag:s30] =	ssyncadd.s32 $0xFFFFE000  }
.Ltmp0:
0x65: {  	_ =	swait.ge [sflag:s31], $0x2000;
	(pc) =	sbr.rel @p0 .LBB2_2-.Ltmp0, $4  }
0x66: {  	[sflag:s31] =	ssyncset.done $0x0  }
0x67: {  	[sflag:s31] =	ssyncadd.s32 $0xFFFFE000  }
0x68: {  	_ =	swait.ge [sflag:s0], $0x2000  }
0x69: {  	s7 =	smov.u32 s8;
	[sflag:s0] =	ssyncset.done $0x0  }
0x6a: {  	s5 =	sadd.s32 s5, s9;
	[sflag:s0] =	ssyncadd.s32 $0xFFFFE000  }
0x6b: {  	[tilespmem:s3], [sflag:$0x9] =	stream.linear.gather [hbm4b:s5+s3], $0x400, $0x38;
	[tilespmem:$0x1C400] =	vst v63  }
0x6c: {  	_ =	swait.ge [sflag:s11], $0x400  }
0x6d: {  	[sflag:s11] =	ssyncset.done $0x0  }
0x6e: {  	[sflag:s11] =	ssyncadd.s32 $0xFFFFFC00  }
0x6f: {  	[tilespmem:s13], [sflag:$0x1] =	stream.indirect.gather [hbm4b:s4+s12], $0x80, s3, s12, $0xb8;
	[tilespmem:$0x1C400] =	vst v63  }
0x70: {  	_ = 	snop  }
0x71: {  	[tilespmem:s15], [sflag:$0x2] =	stream.indirect.gather [hbm4b:s4+s12], $0x80, s14, s12, $0xb8;
	[tilespmem:$0x1C400] =	vst v63  }
0x72: {  	_ = 	snop  }
0x73: {  	[tilespmem:s17], [sflag:$0x3] =	stream.indirect.gather [hbm4b:s4+s12], $0x80, s16, s12, $0xb8;
	[tilespmem:$0x1C400] =	vst v63  }
0x74: {  	_ = 	snop  }
0x75: {  	[tilespmem:s19], [sflag:$0x4] =	stream.indirect.gather [hbm4b:s4+s12], $0x80, s18, s12, $0xb8;
	[tilespmem:$0x1C400] =	vst v63  }
0x76: {  	_ =	swait.ge [sflag:s20], $0x2000  }
0x77: {  	[sflag:s20] =	ssyncset.done $0x0  }
0x78: {  	[sflag:s20] =	ssyncadd.s32 $0xFFFFE000  }
0x79: {  	[spmem:s2] =	stream.indirect.scatter.add.f32 [tilespmem:s13], [sflag:$0x5], $0x80, s21, s12, $0xb8;
	[tilespmem:$0x1C400] =	vst v63  }
0x7a: {  	_ =	swait.ge [sflag:s22], $0x2000  }
0x7b: {  	[sflag:s22] =	ssyncset.done $0x0  }
0x7c: {  	[sflag:s22] =	ssyncadd.s32 $0xFFFFE000  }
0x7d: {  	[spmem:s2] =	stream.indirect.scatter.add.f32 [tilespmem:s15], [sflag:$0x6], $0x80, s23, s12, $0xb8;
	[tilespmem:$0x1C400] =	vst v63  }
0x7e: {  	_ =	swait.ge [sflag:s24], $0x2000  }
0x7f: {  	[sflag:s24] =	ssyncset.done $0x0  }
0x80: {  	[sflag:s24] =	ssyncadd.s32 $0xFFFFE000  }
0x81: {  	[spmem:s2] =	stream.indirect.scatter.add.f32 [tilespmem:s17], [sflag:$0x7], $0x80, s25, s12, $0xb8;
	[tilespmem:$0x1C400] =	vst v63  }
0x82: {  	_ =	swait.ge [sflag:s26], $0x2000  }
0x83: {  	[sflag:s26] =	ssyncset.done $0x0  }
0x84: {  	[sflag:s26] =	ssyncadd.s32 $0xFFFFE000  }
0x85: {  	[spmem:s2] =	stream.indirect.scatter.add.f32 [tilespmem:s19], [sflag:$0x8], $0x80, s28, s12, $0xb8;
	[tilespmem:$0x1C400] =	vst v63  }
0x86: {  	_ =	swait.ge [sflag:s29], $0x2000  }
0x87: {  	[sflag:s29] =	ssyncset.done $0x0  }
0x88: {  	[sflag:s29] =	ssyncadd.s32 $0xFFFFE000  }
0x89: {  	_ =	swait.ge [sflag:s30], $0x2000  }
0x8a: {  	[sflag:s30] =	ssyncset.done $0x0  }
0x8b: {  	[sflag:s30] =	ssyncadd.s32 $0xFFFFE000  }
0x8c: {  	_ =	swait.ge [sflag:s31], $0x2000  }
0x8d: {  	[sflag:s31] =	ssyncset.done $0x0  }
0x8e: {  	[sflag:s31] =	ssyncadd.s32 $0xFFFFE000  }
0x8f: {  	_ =	swait.ge [sflag:s0], $0x2000  }
0x90: {  	[sflag:s0] =	ssyncset.done $0x0  }
0x91: {  	[sflag:s0] =	ssyncadd.s32 $0xFFFFE000  }
0x92: {  	[bflag:$0x0] =	sbarrier.arrive $0xFFFF  }
0x93: {  	s8 =	rddreg [dreg:$0x4]  }
0x94: {  	s7 =	rddreg [dreg:$0x6]  }
0x95: {  	[hbm:s8], [sflag:s10] =	dma.local [spmem:s7], $0x2800  }
0x96: {  	_ =	swait.ge [sflag:s11], $0x2800  }
0x97: {  	s6 =	smov.u32 s10;
	s1 =	sadd.s32 $0x1, s1;
	s10 =	rddreg [dreg:$0x5]  }
0x98: {  	p0 =	sne.s32 s1, s10  }
.Ltmp1:
0x99: {  	_ = 	snop;
	(pc) =	sbr.rel @p0 .LBB2_1-.Ltmp1, $3  }
0x9a: {  	_ =	sdelay $0x1  }
0x9b: {  	[sflag:s11] =	ssyncset.done $0x0  }
0x9c: {  	[sflag:s11] =	ssyncadd.s32 $0xFFFFD800  }
0x9d: {  	_ =	sfence.sel $0x180000  }
0x9e: {  	[bflag:$0x0] =	sbarrier.arrive $0xFFFF  }
0x9f: {  	_ =	strace $0x9000004A  }
0xa0: {  	s0 =	stileid.u32;
	[bflag:$0x2] =	sbarrier.arrive $0xFFFF  }
0xa1: {  	p0 =	sne.s32 s0, $0x0;
	s0 =	rddreg [dreg:$0x2]  }
0xa2: {  	s0 =	sadd.s32 @!p0 $0x100000, s0  }
0xa3: {  	[sflag:s0] =	ssyncadd.tile.s32 @!p0 $0x1;
	_ =	shalt  }
.Lfunc_end2:
_tile_overlayer_lowered:
.L_overlay_start_2:
0xa4: {  	(tag) =	ssettag $0x2  }
0xa5: {  	s0 =	rddreg [dreg:$0x0];
	s2 =	stileid.u32  }
0xa6: {  	s1 =	rddreg [dreg:$0x1];
	p0 =	sne.s32 s2, $0x0  }
0xa7: {  	s3 =	rddreg [dreg:$0x2];
	[bflag:$0x3] =	sbarrier.arrive $0xFFFF;
	s2 =	simm.s32 @!p0 $0x1C09  }
0xa8: {  	[timem:s3], [sflag:s2] =	dma.local @!p0 [hbm:s0], s1  }
0xa9: {  	s0 =	simm.s32 @!p0 $0x9  }
0xaa: {  	_ =	swait.ge @!p0 [sflag:s0], s1  }
0xab: {  	s1 =	ssub.s32 @!p0 $0x0, s1;
	[sflag:s0] =	ssyncset.done @!p0 $0x0  }
0xac: {  	[sflag:s0] =	ssyncadd.s32 @!p0 s1  }
0xad: {  	[bflag:$0x3] =	sbarrier.arrive $0xFFFF  }
0xae: {  	_ =	shalt  }

// kernel: kernel.14.cloned.1.call-start
scs
__scs_entry_jumppad:
0x0: {  	(pc) =	sbr.rel $0x88, $3  }
0x1: {  	(tag) =	ssettag $0x0;
	lr =	simm.s32 $0x1  }
0x2: {  	[smem:$0x3F9A] =	sst lr;
	_ =	strace $0xD0000000  }
0x3: {  	_ = 	snop  }
0x4: {  	_ = 	snop  }
0x5: {  	_ = 	snop  }
0x6: {  	_ = 	snop  }
0x7: {  	_ = 	snop  }
__scs_overlays_trampoline_lowered:
0x8: {  	[smem:$0x3FA9] =	sst s0  }
0x9: {  	[smem:$0x3FAA] =	sst s1  }
0xa: {  	[smem:$0x3FAB] =	sst s2  }
0xb: {  	[smem:$0x3FAC] =	sst s3  }
0xc: {  	[smem:$0x3FAD] =	sst s4  }
0xd: {  	[smem:$0x3FAE] =	sst s5  }
0xe: {  	[smem:$0x3FAF] =	sst s6  }
0xf: {  	[smem:$0x3FB0] =	sst s7  }
0x10: {  	[smem:$0x3FB1] =	sst s8  }
0x11: {  	[smem:$0x3FB2] =	sst s9;
	s0 =	simm.s32 @!p0 $0x0  }
0x12: {  	s1 =	sld [smem:$0x3F98];
	s0 =	simm.s32 @p0 $0x1  }
0x13: {  	[smem:$0x3FB3] =	sst s0;
	s0 =	simm.s32 @!p1 $0x0  }
0x14: {  	s2 =	sld [smem:$0x3F97];
	s0 =	simm.s32 @p1 $0x1  }
0x15: {  	[smem:$0x3FB4] =	sst s0;
	s0 =	simm.s32 @!p2 $0x0  }
0x16: {  	s3 =	sld [smem:$0x3FDB];
	s0 =	simm.s32 @p2 $0x1  }
0x17: {  	s4 =	simm.s32 $0x1BF5;
	[smem:$0x3FB6] =	sst s0  }
0x18: {  	s0 =	sld [smem:$0x3F99];
	_ =	swait.ge [sflag:s4], $0x0  }
0x19: {  	s7 =	sld [smem:$0x3F9A]  }
0x1a: {  	s8 =	sadd.s32 $0xFFFFE003, lr  }
0x1b: {  	s9 =	sadd.s32 $0xFFFFFEF7, lr;
	s5 =	simm.s32 $0xFFFFFFFF;
	p2 =	slt.u32 s8, $0xFFFFF086  }
0x1c: {  	p1 =	slt.u32 s9, $0xF7A;
	s5 =	simm.s32 @!p2 $0x0  }
0x1d: {  	s5 =	simm.s32 @p1 $0x1;
	p0 =	seq.s32 s7, s2  }
0x1e: {  	s7 =	smul.u32 @!p0 $0xF7A, s2;
	p2 =	seq.s32 @!p0 s5, $0x0  }
0x1f: {  	s9 =	smul.u32 $0xF7A, s1;
	s8 =	simm.s32 @!p0 $0x1BF5;
	p2 =	por !p2, p0  }
0x20: {  	[sflag:s8] =	ssyncset.s32 @!p0 $0xFFFFF086;
	s6 =	sadd.s32 @!p0 s3, s7;
	s7 =	simm.s32 @!p0 $0x108  }
0x21: {  	s3 =	sadd.s32 s3, s9;
	s6 =	sadd.s32 @!p0 $0x88, s6;
	s7 =	simm.s32 @p2 $0x1082  }
0x22: {  	[simem:s7], [sflag:s8] =	dma.local @!p0 [hbm:s6], $0xF7A  }
0x23: {  	s9 =	sor.u32 $0xD0000000, s2;
	s6 =	simm.s32 $0x108;
	_ =	swait.ge @!p0 [sflag:s8], $0x0  }
0x24: {  	s3 =	sadd.s32 $0x88, s3;
	s6 =	simm.s32 @!p1 $0x1082;
	[sflag:s4] =	ssyncset.s32 $0xFFFFF086  }
0x25: {  	[simem:s6], [sflag:s4] =	dma.local [hbm:s3], $0xF7A  }
0x26: {  	[smem:$0x3F9A] =	sst s1;
	(tag) =	ssettag s2;
	_ =	strace s9  }
0x27: {  	s1 =	sld [smem:$0x3FAA]  }
0x28: {  	s2 =	sld [smem:$0x3FAB]  }
0x29: {  	s4 =	sld [smem:$0x3FAD]  }
0x2a: {  	p0 =	seq.s32 s5, $0x0;
	s5 =	sld [smem:$0x3FAE]  }
0x2b: {  	s6 =	sld [smem:$0x3FAF]  }
0x2c: {  	s7 =	sld [smem:$0x3FB0]  }
0x2d: {  	s3 =	simm.s32 $0x108;
	s8 =	sld [smem:$0x3FB1]  }
0x2e: {  	s3 =	simm.s32 @!p0 $0x1082;
	s9 =	sld [smem:$0x3FB2]  }
0x2f: {  	lr =	sadd.s32 s0, s3;
	s0 =	sld [smem:$0x3FA9]  }
0x30: {  	s3 =	sld [smem:$0x3FAC]  }
0x31: {  	[smem:$0x3FB5] =	sst s10  }
0x32: {  	s10 =	sld [smem:$0x3FB3];
	_ =	sdelay $0x3  }
0x33: {  	p0 =	seq.s32 s10, $0x1;
	s10 =	sld [smem:$0x3FB5];
	_ =	sdelay $0x3  }
0x34: {  	[smem:$0x3FB5] =	sst s10  }
0x35: {  	s10 =	sld [smem:$0x3FB4];
	_ =	sdelay $0x3  }
0x36: {  	p1 =	seq.s32 s10, $0x1;
	s10 =	sld [smem:$0x3FB5];
	_ =	sdelay $0x3  }
0x37: {  	[smem:$0x3FB5] =	sst s10  }
0x38: {  	s10 =	sld [smem:$0x3FB6]  }
0x39: {  	_ = 	snop;
	(pc) =	sbr.ind lr, $3  }
0x3a: {  	_ = 	snop  }
0x3b: {  	_ = 	snop  }
0x3c: {  	p2 =	seq.s32 s10, $0x1;
	s10 =	sld [smem:$0x3FB5]  }
0x3d: {  	_ =	shalt  }
0x3e: {  	_ =	shalt  }
0x3f: {  	_ =	shalt  }
0x40: {  	_ =	shalt  }
0x41: {  	_ =	shalt  }
0x42: {  	_ =	shalt  }
0x43: {  	_ =	shalt  }
0x44: {  	_ =	shalt  }
0x45: {  	_ =	shalt  }
0x46: {  	_ =	shalt  }
0x47: {  	_ =	shalt  }
0x48: {  	_ =	shalt  }
0x49: {  	_ =	shalt  }
0x4a: {  	_ =	shalt  }
0x4b: {  	_ =	shalt  }
0x4c: {  	_ =	shalt  }
0x4d: {  	_ =	shalt  }
0x4e: {  	_ =	shalt  }
0x4f: {  	_ =	shalt  }
0x50: {  	_ =	shalt  }
0x51: {  	_ =	shalt  }
0x52: {  	_ =	shalt  }
0x53: {  	_ =	shalt  }
0x54: {  	_ =	shalt  }
0x55: {  	_ =	shalt  }
0x56: {  	_ =	shalt  }
0x57: {  	_ =	shalt  }
0x58: {  	_ =	shalt  }
0x59: {  	_ =	shalt  }
0x5a: {  	_ =	shalt  }
0x5b: {  	_ =	shalt  }
0x5c: {  	_ =	shalt  }
0x5d: {  	_ =	shalt  }
0x5e: {  	_ =	shalt  }
0x5f: {  	_ =	shalt  }
0x60: {  	_ =	shalt  }
0x61: {  	_ =	shalt  }
0x62: {  	_ =	shalt  }
0x63: {  	_ =	shalt  }
0x64: {  	_ =	shalt  }
0x65: {  	_ =	shalt  }
0x66: {  	_ =	shalt  }
0x67: {  	_ =	shalt  }
0x68: {  	_ =	shalt  }
0x69: {  	_ =	shalt  }
0x6a: {  	_ =	shalt  }
0x6b: {  	_ =	shalt  }
0x6c: {  	_ =	shalt  }
0x6d: {  	_ =	shalt  }
0x6e: {  	_ =	shalt  }
0x6f: {  	_ =	shalt  }
0x70: {  	_ =	shalt  }
0x71: {  	_ =	shalt  }
0x72: {  	_ =	shalt  }
0x73: {  	_ =	shalt  }
0x74: {  	_ =	shalt  }
0x75: {  	_ =	shalt  }
0x76: {  	_ =	shalt  }
0x77: {  	_ =	shalt  }
0x78: {  	_ =	shalt  }
0x79: {  	_ =	shalt  }
0x7a: {  	_ =	shalt  }
0x7b: {  	_ =	shalt  }
0x7c: {  	_ =	shalt  }
0x7d: {  	_ =	shalt  }
0x7e: {  	_ =	shalt  }
0x7f: {  	_ =	shalt  }
0x80: {  	_ =	shalt  }
0x81: {  	_ =	shalt  }
0x82: {  	_ =	shalt  }
0x83: {  	_ =	shalt  }
0x84: {  	_ =	shalt  }
0x85: {  	_ =	shalt  }
0x86: {  	_ =	shalt  }
0x87: {  	_ =	shalt  }
.Lfunc_end0:
.L_simem_size_0:
called_computation.2_lowered:
.L_overlay_start_0:
0x88: {  	s2 =	sld [smem:$0x3FD9]  }
0x89: {  	s3 =	sld [smem:$0x3FFE];
	_ =	sdelay $0x1  }
0x8a: {  	s1 =	srdreg.scid  }
0x8b: {  	s0 =	sand.u32 $0x1, s1  }
0x8c: {  	s16 =	sshll.u32 s0, $0xA;
	s2 =	sadd.s32 s3, s2  }
0x8d: {  	s2 =	sadd.s32 s2, s16  }
0x8e: {  	[smem:$0x3FC1] =	sst s2  }
0x8f: {  	_ = 	snop  }
0x90: {  	(tm) =	ssettm $0x1  }
0x91: {  	s17 =	sld [smem:$0x3FFB];
	_ =	sdelay $0x3  }
0x92: {  	_ =	strace s17  }
0x93: {  	s2 =	sld [smem:$0x3FFC];
	_ =	sdelay $0x3  }
0x94: {  	_ =	strace s2  }
0x95: {  	s2 =	sld [smem:$0x3FFD];
	_ =	sdelay $0x3  }
0x96: {  	_ =	strace s2  }
0x97: {  	_ =	strace $0x8FFFFFFF  }
0x98: {  	s18 =	sld [smem:$0x3FDB];
	_ =	sdelay $0x1  }
0x99: {  	s19 =	simm.s32 $_scs_section_size  }
0x9a: {  	s4 =	simm.s32 $_size__tile_overlayer_lowered;
	s5 =	simm.s32 $_tile_overlayer_lowered  }
0x9b: {  	s22 =	simm.s32 $0x1BFF;
	s21 =	sshll.u32 s5, $0x1;
	s2 =	sadd.s32 s19, s18  }
0x9c: {  	s6 =	simm.s32 $0x0;
	s20 =	sshll.u32 s4, $0x1;
	s4 =	sadd.s32 s21, s2  }
0x9d: {  	[timem:s6], [sflag:s22] =	dma.local [hbm:s4], s20  }
0x9e: {  	_ =	swait.ge [sflag:s22], s20  }
0x9f: {  	s3 =	ssub.s32 $0x0, s20;
	[sflag:s22] =	ssyncset.done $0x0  }
0xa0: {  	[sflag:s22] =	ssyncadd.s32 s3;
	_ =	sdelay $0x1  }
0xa1: {  	s23 =	simm.s32 $0x1B8B  }
0xa2: {  	_ =	swait.ge [sflag:s23], $0x1  }
0xa3: {  	[sflag:s23] =	ssyncset.done $0x0  }
0xa4: {  	s25 =	simm.s32 $0x1B8E;
	s24 =	sld [smem:$0x3FFE];
	[sflag:s23] =	ssyncadd.s32 $0xFFFFFFFF  }
0xa5: {  	s26 =	simm.s32 $execute0_lowered;
	[smem:$0x3FD2] =	sst s25  }
0xa6: {  	s4 =	sshll.u32 s26, $0x1;
	_ =	strace $0x8000004C;
	[dreg:$0x1] =	wrdreg $0xFFFFFFFF  }
0xa7: {  	s28 =	simm.s32 $_size_execute0_lowered;
	s2 =	sadd.s32 s2, s4;
	[dreg:$0x0] =	wrdreg $0x0  }
0xa8: {  	s4 =	sshll.u32 s28, $0x1;
	[dreg:$0x2] =	wrdreg s2  }
0xa9: {  	[dreg:$0x3] =	wrdreg s4  }
0xaa: {  	[dreg:$0x4] =	wrdreg $0xC0  }
0xab: {  	_ =	task [dreg:s6], $0x5FFFF  }
0xac: {  	[dreg:$0x1] =	wrdreg $0xFFFFFFFF  }
0xad: {  	[dreg:$0x0] =	wrdreg $0x60  }
0xae: {  	[dreg:$0x2] =	wrdreg s24  }
0xaf: {  	[dreg:$0x3] =	wrdreg $0x84000  }
0xb0: {  	[dreg:$0x4] =	wrdreg $0x9  }
0xb1: {  	_ =	task.clear_ibuf [dreg:s6], $0x5FFFF;
	_ =	strace $0x9000004C  }
0xb2: {  	s29 =	simm.s32 $0x9;
	_ =	strace $0x8000004E  }
0xb3: {  	_ =	swait.ge [sflag:s29], $0x1  }
0xb4: {  	[sflag:s29] =	ssyncadd.s32 $0xFFFFFFFF  }
0xb5: {  	_ =	strace $0x9000004E  }
0xb6: {  	_ =	sfence  }
0xb7: {  	s30 =	sld [smem:$0x0];
	_ =	sdelay $0x2  }
0xb8: {  	s31 =	sshll.u32 s1, $0xD;
	s1 =	sshrl.u32 s1, $0x2  }
0xb9: {  	s3 =	sand.u32 $0x4000, s31;
	s1 =	sadd.s32 s1, s30  }
0xba: {  	s0 =	sor.u32 s3, s0;
	s1 =	sshll.u32 s1, $0x11  }
0xbb: {  	s0 =	sor.u32 s1, s0  }
0xbc: {  	s0 =	sadd.s32 $0x8F2B, s0  }
0xbd: {  	[sflag:s0] =	ssyncadd.remote.s32 $0x1  }
0xbe: {  	_ =	sfence.sel $0xFFFF  }
0xbf: {  	[dreg:$0x0] =	wrdreg $0xFFFFFFFF;
	(pc) =	sbr.abs _section_cstart, $3  }
0xc0: {  	[dreg:$0x1] =	wrdreg $0xFFFFFFFF  }
0xc1: {  	_ =	task.clear_ibuf [dreg:s6], $0x2FFFF;
	_ =	strace $0x9FFFFFFF  }
0xc2: {  	(tm) =	ssettm $0x7FFFFFFF  }
0xc3: {  	_ =	shalt  }
tec
execute0_lowered:
.L_overlay_start_1:
0x0: {  	(tag) =	ssettag $0x1  }
0x1: {  	s0 =	rddreg [dreg:$0x0]  }
0x2: {  	s2 =	rddreg [dreg:$0x1]  }
0x3: {  	s11 =	stileid.u32;
	s4 =	srdreg.scid;
	s3 =	simm.s32 $0x0  }
0x4: {  	s12 =	simm.s32 $0x40;
	s13 =	simm.s32 $0x400;
	s14 =	simm.s32 $0x100  }
0x5: {  	s15 =	simm.s32 $0x2400;
	s16 =	simm.s32 $0x200;
	s17 =	simm.s32 $0x4400  }
0x6: {  	s18 =	simm.s32 $0x300;
	s28 =	simm.s32 $0x380;
	s29 =	simm.s32 $0x5  }
0x7: {  	s30 =	simm.s32 $0x6;
	s31 =	simm.s32 $0x7;
	s1 =	smul.u32 $0x2800, s11  }
0x8: {  	s5 =	smul.u32 $0x14000, s11;
	s6 =	sand.u32 $0x1, s4;
	[smem:$0x7FF] =	sst s3  }
0x9: {  	s4 =	sadd.s32 $0xA2800, s0;
	s10 =	smul.u32 $0x50000, s11;
	s22 =	sshll.u32 s11, $0x6  }
0xa: {  	s11 =	simm.s32 $0x9;
	s7 =	smul.u32 $0x140000, s6;
	_ =	strace $0x8000004D  }
0xb: {  	s19 =	ssub.s32 $0x2, s6;
	s23 =	smul.u32 $0x1400, s6;
	s6 =	sor.u32 $0x1C09, s22  }
0xc: {  	s22 =	simm.s32 $0x2;
	s1 =	sadd.s32 s1, s0;
	s8 =	sshrl.u32 s5, $0x3  }
0xd: {  	s9 =	sshrl.u32 s19, $0x1;
	s21 =	sshrl.u32 s10, $0x2;
	s5 =	sadd.s32 s5, s7  }
0xe: {  	s8 =	sadd.s32 s8, s0;
	s20 =	ssub.s32 s19, s9;
	s7 =	sadd.s32 s21, s2  }
0xf: {  	s26 =	sadd.s32 s23, s1;
	s19 =	simm.s32 $0x6400;
	s21 =	simm.s32 $0x80  }
0x10: {  	s23 =	simm.s32 $0x180;
	s1 =	simm.s32 $0x0;
	s5 =	sshrl.u32 s5, $0x3  }
0x11: {  	s24 =	sadd.s32 $0x2A400, s8;
	s25 =	smax.u32 s20, $0x1;
	s9 =	sadd.s32 $0x2400, s26  }
0x12: {  	s7 =	sshrl.u32 s7, $0x3;
	s20 =	simm.s32 $0x1;
	[dreg:$0x3] =	wrdreg s24  }
0x13: {  	s26 =	simm.s32 $0x4;
	s0 =	sadd.s32 s5, s0;
	[dreg:$0x5] =	wrdreg s25  }
0x14: {  	s24 =	simm.s32 $0x3;
	[dreg:$0x6] =	wrdreg s7;
	s0 =	sadd.s32 $0xCA800, s0  }
0x15: {  	s25 =	simm.s32 $0x280;
	[dreg:$0x4] =	wrdreg s0;
	s0 =	simm.s32 $0x8  }
.LBB2_1:
0x16: {  	s5 =	rddreg [dreg:$0x3]  }
0x17: {  	[spmem:s7], [sflag:s6] =	dma.local [hbm:s5], $0x2800  }
0x18: {  	_ =	swait.ge [sflag:s11], $0x2800  }
0x19: {  	[sflag:s11] =	ssyncset.done $0x0  }
0x1a: {  	[sflag:s11] =	ssyncadd.s32 $0xFFFFD800  }
0x1b: {  	s8 =	sadd.s32 $0x0, s9;
	[bflag:$0x0] =	sbarrier.arrive $0xFFFF  }
0x1c: {  	[tilespmem:s3], [sflag:$0x9] =	stream.linear.gather [hbm4b:s8+s3], $0x400, $0x38;
	[tilespmem:$0x1C400] =	vst v63  }
0x1d: {  	_ =	swait.ge [sflag:s11], $0x400  }
0x1e: {  	[sflag:s11] =	ssyncset.done $0x0  }
0x1f: {  	[sflag:s11] =	ssyncadd.s32 $0xFFFFFC00  }
0x20: {  	[tilespmem:s13], [sflag:$0x1] =	stream.indirect.gather [hbm4b:s4+s12], $0x80, s3, s12, $0xb8;
	[tilespmem:$0x1C400] =	vst v63  }
0x21: {  	_ = 	snop  }
0x22: {  	[tilespmem:s15], [sflag:$0x2] =	stream.indirect.gather [hbm4b:s4+s12], $0x80, s14, s12, $0xb8;
	[tilespmem:$0x1C400] =	vst v63  }
0x23: {  	_ = 	snop  }
0x24: {  	[tilespmem:s17], [sflag:$0x3] =	stream.indirect.gather [hbm4b:s4+s12], $0x80, s16, s12, $0xb8;
	[tilespmem:$0x1C400] =	vst v63  }
0x25: {  	_ = 	snop  }
0x26: {  	[tilespmem:s19], [sflag:$0x4] =	stream.indirect.gather [hbm4b:s4+s12], $0x80, s18, s12, $0xb8;
	[tilespmem:$0x1C400] =	vst v63  }
0x27: {  	_ =	swait.ge [sflag:s20], $0x2000  }
0x28: {  	[sflag:s20] =	ssyncset.done $0x0  }
0x29: {  	[sflag:s20] =	ssyncadd.s32 $0xFFFFE000  }
0x2a: {  	[spmem:s2] =	stream.indirect.scatter.add.f32 [tilespmem:s13], [sflag:$0x5], $0x80, s21, s12, $0xb8;
	[tilespmem:$0x1C400] =	vst v63  }
0x2b: {  	_ =	swait.ge [sflag:s22], $0x2000  }
0x2c: {  	[sflag:s22] =	ssyncset.done $0x0  }
0x2d: {  	[sflag:s22] =	ssyncadd.s32 $0xFFFFE000  }
0x2e: {  	[spmem:s2] =	stream.indirect.scatter.add.f32 [tilespmem:s15], [sflag:$0x6], $0x80, s23, s12, $0xb8;
	[tilespmem:$0x1C400] =	vst v63  }
0x2f: {  	_ =	swait.ge [sflag:s24], $0x2000  }
0x30: {  	[sflag:s24] =	ssyncset.done $0x0  }
0x31: {  	[sflag:s24] =	ssyncadd.s32 $0xFFFFE000  }
0x32: {  	[spmem:s2] =	stream.indirect.scatter.add.f32 [tilespmem:s17], [sflag:$0x7], $0x80, s25, s12, $0xb8;
	[tilespmem:$0x1C400] =	vst v63  }
0x33: {  	_ =	swait.ge [sflag:s26], $0x2000  }
0x34: {  	[sflag:s26] =	ssyncset.done $0x0  }
0x35: {  	[sflag:s26] =	ssyncadd.s32 $0xFFFFE000  }
0x36: {  	[spmem:s2] =	stream.indirect.scatter.add.f32 [tilespmem:s19], [sflag:$0x8], $0x80, s28, s12, $0xb8;
	[tilespmem:$0x1C400] =	vst v63  }
0x37: {  	_ =	swait.ge [sflag:s29], $0x2000  }
0x38: {  	[sflag:s29] =	ssyncset.done $0x0  }
0x39: {  	[sflag:s29] =	ssyncadd.s32 $0xFFFFE000  }
0x3a: {  	_ =	swait.ge [sflag:s30], $0x2000  }
0x3b: {  	[sflag:s30] =	ssyncset.done $0x0  }
0x3c: {  	[sflag:s30] =	ssyncadd.s32 $0xFFFFE000  }
0x3d: {  	_ =	swait.ge [sflag:s31], $0x2000  }
0x3e: {  	[sflag:s31] =	ssyncset.done $0x0  }
0x3f: {  	[sflag:s31] =	ssyncadd.s32 $0xFFFFE000  }
0x40: {  	s10 =	smov.u32 s6;
	_ =	swait.ge [sflag:s0], $0x2000  }
0x41: {  	s5 =	simm.s32 $0x80;
	s7 =	simm.s32 $0x100;
	[sflag:s0] =	ssyncset.done $0x0  }
.LBB2_2:
0x42: {  	s6 =	sadd.s32 s5, s9  }
0x43: {  	[sflag:s0] =	ssyncadd.s32 $0xFFFFE000;
	s5 =	smov.u32 s7;
	s8 =	sadd.s32 $0x80, s7  }
0x44: {  	[tilespmem:s3], [sflag:$0x9] =	stream.linear.gather [hbm4b:s6+s3], $0x400, $0x38;
	[tilespmem:$0x1C400] =	vst v63  }
0x45: {  	p0 =	sne.s32 s7, $0x1380;
	_ =	swait.ge [sflag:s11], $0x400  }
0x46: {  	[sflag:s11] =	ssyncset.done $0x0  }
0x47: {  	[sflag:s11] =	ssyncadd.s32 $0xFFFFFC00  }
0x48: {  	[tilespmem:s13], [sflag:$0x1] =	stream.indirect.gather [hbm4b:s4+s12], $0x80, s3, s12, $0xb8;
	[tilespmem:$0x1C400] =	vst v63  }
0x49: {  	_ = 	snop  }
0x4a: {  	[tilespmem:s15], [sflag:$0x2] =	stream.indirect.gather [hbm4b:s4+s12], $0x80, s14, s12, $0xb8;
	[tilespmem:$0x1C400] =	vst v63  }
0x4b: {  	_ = 	snop  }
0x4c: {  	[tilespmem:s17], [sflag:$0x3] =	stream.indirect.gather [hbm4b:s4+s12], $0x80, s16, s12, $0xb8;
	[tilespmem:$0x1C400] =	vst v63  }
0x4d: {  	_ = 	snop  }
0x4e: {  	[tilespmem:s19], [sflag:$0x4] =	stream.indirect.gather [hbm4b:s4+s12], $0x80, s18, s12, $0xb8;
	[tilespmem:$0x1C400] =	vst v63  }
0x4f: {  	_ =	swait.ge [sflag:s20], $0x2000  }
0x50: {  	[sflag:s20] =	ssyncset.done $0x0  }
0x51: {  	[sflag:s20] =	ssyncadd.s32 $0xFFFFE000  }
0x52: {  	[spmem:s2] =	stream.indirect.scatter.add.f32 [tilespmem:s13], [sflag:$0x5], $0x80, s21, s12, $0xb8;
	[tilespmem:$0x1C400] =	vst v63  }
0x53: {  	_ =	swait.ge [sflag:s22], $0x2000  }
0x54: {  	[sflag:s22] =	ssyncset.done $0x0  }
0x55: {  	[sflag:s22] =	ssyncadd.s32 $0xFFFFE000  }
0x56: {  	[spmem:s2] =	stream.indirect.scatter.add.f32 [tilespmem:s15], [sflag:$0x6], $0x80, s23, s12, $0xb8;
	[tilespmem:$0x1C400] =	vst v63  }
0x57: {  	_ =	swait.ge [sflag:s24], $0x2000  }
0x58: {  	[sflag:s24] =	ssyncset.done $0x0  }
0x59: {  	[sflag:s24] =	ssyncadd.s32 $0xFFFFE000  }
0x5a: {  	[spmem:s2] =	stream.indirect.scatter.add.f32 [tilespmem:s17], [sflag:$0x7], $0x80, s25, s12, $0xb8;
	[tilespmem:$0x1C400] =	vst v63  }
0x5b: {  	_ =	swait.ge [sflag:s26], $0x2000  }
0x5c: {  	[sflag:s26] =	ssyncset.done $0x0  }
0x5d: {  	[sflag:s26] =	ssyncadd.s32 $0xFFFFE000  }
0x5e: {  	[spmem:s2] =	stream.indirect.scatter.add.f32 [tilespmem:s19], [sflag:$0x8], $0x80, s28, s12, $0xb8;
	[tilespmem:$0x1C400] =	vst v63  }
0x5f: {  	_ =	swait.ge [sflag:s29], $0x2000  }
0x60: {  	[sflag:s29] =	ssyncset.done $0x0  }
0x61: {  	[sflag:s29] =	ssyncadd.s32 $0xFFFFE000  }
0x62: {  	_ =	swait.ge [sflag:s30], $0x2000  }
0x63: {  	[sflag:s30] =	ssyncset.done $0x0  }
0x64: {  	[sflag:s30] =	ssyncadd.s32 $0xFFFFE000  }
.Ltmp0:
0x65: {  	_ =	swait.ge [sflag:s31], $0x2000;
	(pc) =	sbr.rel @p0 .LBB2_2-.Ltmp0, $4  }
0x66: {  	[sflag:s31] =	ssyncset.done $0x0  }
0x67: {  	[sflag:s31] =	ssyncadd.s32 $0xFFFFE000  }
0x68: {  	_ =	swait.ge [sflag:s0], $0x2000  }
0x69: {  	s7 =	smov.u32 s8;
	[sflag:s0] =	ssyncset.done $0x0  }
0x6a: {  	s5 =	sadd.s32 s5, s9;
	[sflag:s0] =	ssyncadd.s32 $0xFFFFE000  }
0x6b: {  	[tilespmem:s3], [sflag:$0x9] =	stream.linear.gather [hbm4b:s5+s3], $0x400, $0x38;
	[tilespmem:$0x1C400] =	vst v63  }
0x6c: {  	_ =	swait.ge [sflag:s11], $0x400  }
0x6d: {  	[sflag:s11] =	ssyncset.done $0x0  }
0x6e: {  	[sflag:s11] =	ssyncadd.s32 $0xFFFFFC00  }
0x6f: {  	[tilespmem:s13], [sflag:$0x1] =	stream.indirect.gather [hbm4b:s4+s12], $0x80, s3, s12, $0xb8;
	[tilespmem:$0x1C400] =	vst v63  }
0x70: {  	_ = 	snop  }
0x71: {  	[tilespmem:s15], [sflag:$0x2] =	stream.indirect.gather [hbm4b:s4+s12], $0x80, s14, s12, $0xb8;
	[tilespmem:$0x1C400] =	vst v63  }
0x72: {  	_ = 	snop  }
0x73: {  	[tilespmem:s17], [sflag:$0x3] =	stream.indirect.gather [hbm4b:s4+s12], $0x80, s16, s12, $0xb8;
	[tilespmem:$0x1C400] =	vst v63  }
0x74: {  	_ = 	snop  }
0x75: {  	[tilespmem:s19], [sflag:$0x4] =	stream.indirect.gather [hbm4b:s4+s12], $0x80, s18, s12, $0xb8;
	[tilespmem:$0x1C400] =	vst v63  }
0x76: {  	_ =	swait.ge [sflag:s20], $0x2000  }
0x77: {  	[sflag:s20] =	ssyncset.done $0x0  }
0x78: {  	[sflag:s20] =	ssyncadd.s32 $0xFFFFE000  }
0x79: {  	[spmem:s2] =	stream.indirect.scatter.add.f32 [tilespmem:s13], [sflag:$0x5], $0x80, s21, s12, $0xb8;
	[tilespmem:$0x1C400] =	vst v63  }
0x7a: {  	_ =	swait.ge [sflag:s22], $0x2000  }
0x7b: {  	[sflag:s22] =	ssyncset.done $0x0  }
0x7c: {  	[sflag:s22] =	ssyncadd.s32 $0xFFFFE000  }
0x7d: {  	[spmem:s2] =	stream.indirect.scatter.add.f32 [tilespmem:s15], [sflag:$0x6], $0x80, s23, s12, $0xb8;
	[tilespmem:$0x1C400] =	vst v63  }
0x7e: {  	_ =	swait.ge [sflag:s24], $0x2000  }
0x7f: {  	[sflag:s24] =	ssyncset.done $0x0  }
0x80: {  	[sflag:s24] =	ssyncadd.s32 $0xFFFFE000  }
0x81: {  	[spmem:s2] =	stream.indirect.scatter.add.f32 [tilespmem:s17], [sflag:$0x7], $0x80, s25, s12, $0xb8;
	[tilespmem:$0x1C400] =	vst v63  }
0x82: {  	_ =	swait.ge [sflag:s26], $0x2000  }
0x83: {  	[sflag:s26] =	ssyncset.done $0x0  }
0x84: {  	[sflag:s26] =	ssyncadd.s32 $0xFFFFE000  }
0x85: {  	[spmem:s2] =	stream.indirect.scatter.add.f32 [tilespmem:s19], [sflag:$0x8], $0x80, s28, s12, $0xb8;
	[tilespmem:$0x1C400] =	vst v63  }
0x86: {  	_ =	swait.ge [sflag:s29], $0x2000  }
0x87: {  	[sflag:s29] =	ssyncset.done $0x0  }
0x88: {  	[sflag:s29] =	ssyncadd.s32 $0xFFFFE000  }
0x89: {  	_ =	swait.ge [sflag:s30], $0x2000  }
0x8a: {  	[sflag:s30] =	ssyncset.done $0x0  }
0x8b: {  	[sflag:s30] =	ssyncadd.s32 $0xFFFFE000  }
0x8c: {  	_ =	swait.ge [sflag:s31], $0x2000  }
0x8d: {  	[sflag:s31] =	ssyncset.done $0x0  }
0x8e: {  	[sflag:s31] =	ssyncadd.s32 $0xFFFFE000  }
0x8f: {  	_ =	swait.ge [sflag:s0], $0x2000  }
0x90: {  	[sflag:s0] =	ssyncset.done $0x0  }
0x91: {  	[sflag:s0] =	ssyncadd.s32 $0xFFFFE000  }
0x92: {  	[bflag:$0x0] =	sbarrier.arrive $0xFFFF  }
0x93: {  	s8 =	rddreg [dreg:$0x4]  }
0x94: {  	s7 =	rddreg [dreg:$0x6]  }
0x95: {  	[hbm:s8], [sflag:s10] =	dma.local [spmem:s7], $0x2800  }
0x96: {  	_ =	swait.ge [sflag:s11], $0x2800  }
0x97: {  	s6 =	smov.u32 s10;
	s1 =	sadd.s32 $0x1, s1;
	s10 =	rddreg [dreg:$0x5]  }
0x98: {  	p0 =	sne.s32 s1, s10  }
.Ltmp1:
0x99: {  	_ = 	snop;
	(pc) =	sbr.rel @p0 .LBB2_1-.Ltmp1, $3  }
0x9a: {  	_ =	sdelay $0x1  }
0x9b: {  	[sflag:s11] =	ssyncset.done $0x0  }
0x9c: {  	[sflag:s11] =	ssyncadd.s32 $0xFFFFD800  }
0x9d: {  	_ =	sfence.sel $0x180000  }
0x9e: {  	[bflag:$0x0] =	sbarrier.arrive $0xFFFF  }
0x9f: {  	_ =	strace $0x9000004D  }
0xa0: {  	s0 =	stileid.u32;
	[bflag:$0x2] =	sbarrier.arrive $0xFFFF  }
0xa1: {  	p0 =	sne.s32 s0, $0x0;
	s0 =	rddreg [dreg:$0x2]  }
0xa2: {  	s0 =	sadd.s32 @!p0 $0x100000, s0  }
0xa3: {  	[sflag:s0] =	ssyncadd.tile.s32 @!p0 $0x1;
	_ =	shalt  }
.Lfunc_end2:
_tile_overlayer_lowered:
.L_overlay_start_2:
0xa4: {  	(tag) =	ssettag $0x2  }
0xa5: {  	s0 =	rddreg [dreg:$0x0];
	s2 =	stileid.u32  }
0xa6: {  	s1 =	rddreg [dreg:$0x1];
	p0 =	sne.s32 s2, $0x0  }
0xa7: {  	s3 =	rddreg [dreg:$0x2];
	[bflag:$0x3] =	sbarrier.arrive $0xFFFF;
	s2 =	simm.s32 @!p0 $0x1C09  }
0xa8: {  	[timem:s3], [sflag:s2] =	dma.local @!p0 [hbm:s0], s1  }
0xa9: {  	s0 =	simm.s32 @!p0 $0x9  }
0xaa: {  	_ =	swait.ge @!p0 [sflag:s0], s1  }
0xab: {  	s1 =	ssub.s32 @!p0 $0x0, s1;
	[sflag:s0] =	ssyncset.done @!p0 $0x0  }
0xac: {  	[sflag:s0] =	ssyncadd.s32 @!p0 s1  }
0xad: {  	[bflag:$0x3] =	sbarrier.arrive $0xFFFF  }
0xae: {  	_ =	shalt  }

// kernel: kernel.8.cloned.1.call-start
scs
__scs_entry_jumppad:
0x0: {  	(pc) =	sbr.rel $0x88, $3  }
0x1: {  	(tag) =	ssettag $0x0;
	lr =	simm.s32 $0x1  }
0x2: {  	[smem:$0x3F9A] =	sst lr;
	_ =	strace $0xD0000000  }
0x3: {  	_ = 	snop  }
0x4: {  	_ = 	snop  }
0x5: {  	_ = 	snop  }
0x6: {  	_ = 	snop  }
0x7: {  	_ = 	snop  }
__scs_overlays_trampoline_lowered:
0x8: {  	[smem:$0x3FA9] =	sst s0  }
0x9: {  	[smem:$0x3FAA] =	sst s1  }
0xa: {  	[smem:$0x3FAB] =	sst s2  }
0xb: {  	[smem:$0x3FAC] =	sst s3  }
0xc: {  	[smem:$0x3FAD] =	sst s4  }
0xd: {  	[smem:$0x3FAE] =	sst s5  }
0xe: {  	[smem:$0x3FAF] =	sst s6  }
0xf: {  	[smem:$0x3FB0] =	sst s7  }
0x10: {  	[smem:$0x3FB1] =	sst s8  }
0x11: {  	[smem:$0x3FB2] =	sst s9;
	s0 =	simm.s32 @!p0 $0x0  }
0x12: {  	s1 =	sld [smem:$0x3F98];
	s0 =	simm.s32 @p0 $0x1  }
0x13: {  	[smem:$0x3FB3] =	sst s0;
	s0 =	simm.s32 @!p1 $0x0  }
0x14: {  	s2 =	sld [smem:$0x3F97];
	s0 =	simm.s32 @p1 $0x1  }
0x15: {  	[smem:$0x3FB4] =	sst s0;
	s0 =	simm.s32 @!p2 $0x0  }
0x16: {  	s3 =	sld [smem:$0x3FDB];
	s0 =	simm.s32 @p2 $0x1  }
0x17: {  	s4 =	simm.s32 $0x1BF5;
	[smem:$0x3FB6] =	sst s0  }
0x18: {  	s0 =	sld [smem:$0x3F99];
	_ =	swait.ge [sflag:s4], $0x0  }
0x19: {  	s7 =	sld [smem:$0x3F9A]  }
0x1a: {  	s8 =	sadd.s32 $0xFFFFE003, lr  }
0x1b: {  	s9 =	sadd.s32 $0xFFFFFEF7, lr;
	s5 =	simm.s32 $0xFFFFFFFF;
	p2 =	slt.u32 s8, $0xFFFFF086  }
0x1c: {  	p1 =	slt.u32 s9, $0xF7A;
	s5 =	simm.s32 @!p2 $0x0  }
0x1d: {  	s5 =	simm.s32 @p1 $0x1;
	p0 =	seq.s32 s7, s2  }
0x1e: {  	s7 =	smul.u32 @!p0 $0xF7A, s2;
	p2 =	seq.s32 @!p0 s5, $0x0  }
0x1f: {  	s9 =	smul.u32 $0xF7A, s1;
	s8 =	simm.s32 @!p0 $0x1BF5;
	p2 =	por !p2, p0  }
0x20: {  	[sflag:s8] =	ssyncset.s32 @!p0 $0xFFFFF086;
	s6 =	sadd.s32 @!p0 s3, s7;
	s7 =	simm.s32 @!p0 $0x108  }
0x21: {  	s3 =	sadd.s32 s3, s9;
	s6 =	sadd.s32 @!p0 $0x88, s6;
	s7 =	simm.s32 @p2 $0x1082  }
0x22: {  	[simem:s7], [sflag:s8] =	dma.local @!p0 [hbm:s6], $0xF7A  }
0x23: {  	s9 =	sor.u32 $0xD0000000, s2;
	s6 =	simm.s32 $0x108;
	_ =	swait.ge @!p0 [sflag:s8], $0x0  }
0x24: {  	s3 =	sadd.s32 $0x88, s3;
	s6 =	simm.s32 @!p1 $0x1082;
	[sflag:s4] =	ssyncset.s32 $0xFFFFF086  }
0x25: {  	[simem:s6], [sflag:s4] =	dma.local [hbm:s3], $0xF7A  }
0x26: {  	[smem:$0x3F9A] =	sst s1;
	(tag) =	ssettag s2;
	_ =	strace s9  }
0x27: {  	s1 =	sld [smem:$0x3FAA]  }
0x28: {  	s2 =	sld [smem:$0x3FAB]  }
0x29: {  	s4 =	sld [smem:$0x3FAD]  }
0x2a: {  	p0 =	seq.s32 s5, $0x0;
	s5 =	sld [smem:$0x3FAE]  }
0x2b: {  	s6 =	sld [smem:$0x3FAF]  }
0x2c: {  	s7 =	sld [smem:$0x3FB0]  }
0x2d: {  	s3 =	simm.s32 $0x108;
	s8 =	sld [smem:$0x3FB1]  }
0x2e: {  	s3 =	simm.s32 @!p0 $0x1082;
	s9 =	sld [smem:$0x3FB2]  }
0x2f: {  	lr =	sadd.s32 s0, s3;
	s0 =	sld [smem:$0x3FA9]  }
0x30: {  	s3 =	sld [smem:$0x3FAC]  }
0x31: {  	[smem:$0x3FB5] =	sst s10  }
0x32: {  	s10 =	sld [smem:$0x3FB3];
	_ =	sdelay $0x3  }
0x33: {  	p0 =	seq.s32 s10, $0x1;
	s10 =	sld [smem:$0x3FB5];
	_ =	sdelay $0x3  }
0x34: {  	[smem:$0x3FB5] =	sst s10  }
0x35: {  	s10 =	sld [smem:$0x3FB4];
	_ =	sdelay $0x3  }
0x36: {  	p1 =	seq.s32 s10, $0x1;
	s10 =	sld [smem:$0x3FB5];
	_ =	sdelay $0x3  }
0x37: {  	[smem:$0x3FB5] =	sst s10  }
0x38: {  	s10 =	sld [smem:$0x3FB6]  }
0x39: {  	_ = 	snop;
	(pc) =	sbr.ind lr, $3  }
0x3a: {  	_ = 	snop  }
0x3b: {  	_ = 	snop  }
0x3c: {  	p2 =	seq.s32 s10, $0x1;
	s10 =	sld [smem:$0x3FB5]  }
0x3d: {  	_ =	shalt  }
0x3e: {  	_ =	shalt  }
0x3f: {  	_ =	shalt  }
0x40: {  	_ =	shalt  }
0x41: {  	_ =	shalt  }
0x42: {  	_ =	shalt  }
0x43: {  	_ =	shalt  }
0x44: {  	_ =	shalt  }
0x45: {  	_ =	shalt  }
0x46: {  	_ =	shalt  }
0x47: {  	_ =	shalt  }
0x48: {  	_ =	shalt  }
0x49: {  	_ =	shalt  }
0x4a: {  	_ =	shalt  }
0x4b: {  	_ =	shalt  }
0x4c: {  	_ =	shalt  }
0x4d: {  	_ =	shalt  }
0x4e: {  	_ =	shalt  }
0x4f: {  	_ =	shalt  }
0x50: {  	_ =	shalt  }
0x51: {  	_ =	shalt  }
0x52: {  	_ =	shalt  }
0x53: {  	_ =	shalt  }
0x54: {  	_ =	shalt  }
0x55: {  	_ =	shalt  }
0x56: {  	_ =	shalt  }
0x57: {  	_ =	shalt  }
0x58: {  	_ =	shalt  }
0x59: {  	_ =	shalt  }
0x5a: {  	_ =	shalt  }
0x5b: {  	_ =	shalt  }
0x5c: {  	_ =	shalt  }
0x5d: {  	_ =	shalt  }
0x5e: {  	_ =	shalt  }
0x5f: {  	_ =	shalt  }
0x60: {  	_ =	shalt  }
0x61: {  	_ =	shalt  }
0x62: {  	_ =	shalt  }
0x63: {  	_ =	shalt  }
0x64: {  	_ =	shalt  }
0x65: {  	_ =	shalt  }
0x66: {  	_ =	shalt  }
0x67: {  	_ =	shalt  }
0x68: {  	_ =	shalt  }
0x69: {  	_ =	shalt  }
0x6a: {  	_ =	shalt  }
0x6b: {  	_ =	shalt  }
0x6c: {  	_ =	shalt  }
0x6d: {  	_ =	shalt  }
0x6e: {  	_ =	shalt  }
0x6f: {  	_ =	shalt  }
0x70: {  	_ =	shalt  }
0x71: {  	_ =	shalt  }
0x72: {  	_ =	shalt  }
0x73: {  	_ =	shalt  }
0x74: {  	_ =	shalt  }
0x75: {  	_ =	shalt  }
0x76: {  	_ =	shalt  }
0x77: {  	_ =	shalt  }
0x78: {  	_ =	shalt  }
0x79: {  	_ =	shalt  }
0x7a: {  	_ =	shalt  }
0x7b: {  	_ =	shalt  }
0x7c: {  	_ =	shalt  }
0x7d: {  	_ =	shalt  }
0x7e: {  	_ =	shalt  }
0x7f: {  	_ =	shalt  }
0x80: {  	_ =	shalt  }
0x81: {  	_ =	shalt  }
0x82: {  	_ =	shalt  }
0x83: {  	_ =	shalt  }
0x84: {  	_ =	shalt  }
0x85: {  	_ =	shalt  }
0x86: {  	_ =	shalt  }
0x87: {  	_ =	shalt  }
.Lfunc_end0:
.L_simem_size_0:
called_computation_lowered:
.L_overlay_start_0:
0x88: {  	s2 =	sld [smem:$0x3FD9]  }
0x89: {  	s3 =	sld [smem:$0x3FFE];
	_ =	sdelay $0x1  }
0x8a: {  	s1 =	srdreg.scid  }
0x8b: {  	s0 =	sand.u32 $0x1, s1  }
0x8c: {  	s16 =	sshll.u32 s0, $0xA;
	s2 =	sadd.s32 s3, s2  }
0x8d: {  	s2 =	sadd.s32 s2, s16  }
0x8e: {  	[smem:$0x3FC1] =	sst s2  }
0x8f: {  	_ = 	snop  }
0x90: {  	(tm) =	ssettm $0x1  }
0x91: {  	s17 =	sld [smem:$0x3FFB];
	_ =	sdelay $0x3  }
0x92: {  	_ =	strace s17  }
0x93: {  	s2 =	sld [smem:$0x3FFC];
	_ =	sdelay $0x3  }
0x94: {  	_ =	strace s2  }
0x95: {  	s2 =	sld [smem:$0x3FFD];
	_ =	sdelay $0x3  }
0x96: {  	_ =	strace s2  }
0x97: {  	_ =	strace $0x8FFFFFFF  }
0x98: {  	s18 =	sld [smem:$0x3FDB];
	_ =	sdelay $0x1  }
0x99: {  	s19 =	simm.s32 $_scs_section_size  }
0x9a: {  	s4 =	simm.s32 $_size__tile_overlayer_lowered;
	s5 =	simm.s32 $_tile_overlayer_lowered  }
0x9b: {  	s22 =	simm.s32 $0x1BFF;
	s21 =	sshll.u32 s5, $0x1;
	s2 =	sadd.s32 s19, s18  }
0x9c: {  	s6 =	simm.s32 $0x0;
	s20 =	sshll.u32 s4, $0x1;
	s4 =	sadd.s32 s21, s2  }
0x9d: {  	[timem:s6], [sflag:s22] =	dma.local [hbm:s4], s20  }
0x9e: {  	_ =	swait.ge [sflag:s22], s20  }
0x9f: {  	s3 =	ssub.s32 $0x0, s20;
	[sflag:s22] =	ssyncset.done $0x0  }
0xa0: {  	[sflag:s22] =	ssyncadd.s32 s3;
	_ =	sdelay $0x1  }
0xa1: {  	s23 =	simm.s32 $0x1B8B  }
0xa2: {  	_ =	swait.ge [sflag:s23], $0x1  }
0xa3: {  	[sflag:s23] =	ssyncset.done $0x0  }
0xa4: {  	s25 =	simm.s32 $0x1B8E;
	s24 =	sld [smem:$0x3FFE];
	[sflag:s23] =	ssyncadd.s32 $0xFFFFFFFF  }
0xa5: {  	s26 =	simm.s32 $execute0_lowered;
	[smem:$0x3FD2] =	sst s25  }
0xa6: {  	s4 =	sshll.u32 s26, $0x1;
	_ =	strace $0x80000046;
	[dreg:$0x1] =	wrdreg $0xFFFFFFFF  }
0xa7: {  	s28 =	simm.s32 $_size_execute0_lowered;
	s2 =	sadd.s32 s2, s4;
	[dreg:$0x0] =	wrdreg $0x0  }
0xa8: {  	s4 =	sshll.u32 s28, $0x1;
	[dreg:$0x2] =	wrdreg s2  }
0xa9: {  	[dreg:$0x3] =	wrdreg s4  }
0xaa: {  	[dreg:$0x4] =	wrdreg $0xC0  }
0xab: {  	_ =	task [dreg:s6], $0x5FFFF  }
0xac: {  	[dreg:$0x1] =	wrdreg $0xFFFFFFFF  }
0xad: {  	[dreg:$0x0] =	wrdreg $0x60  }
0xae: {  	[dreg:$0x2] =	wrdreg s24  }
0xaf: {  	[dreg:$0x3] =	wrdreg $0x24000  }
0xb0: {  	[dreg:$0x4] =	wrdreg $0x9  }
0xb1: {  	_ =	task.clear_ibuf [dreg:s6], $0x5FFFF;
	_ =	strace $0x90000046  }
0xb2: {  	s29 =	simm.s32 $0x9;
	_ =	strace $0x80000048  }
0xb3: {  	_ =	swait.ge [sflag:s29], $0x1  }
0xb4: {  	[sflag:s29] =	ssyncadd.s32 $0xFFFFFFFF  }
0xb5: {  	_ =	strace $0x90000048  }
0xb6: {  	_ =	sfence  }
0xb7: {  	s30 =	sld [smem:$0x0];
	_ =	sdelay $0x2  }
0xb8: {  	s31 =	sshll.u32 s1, $0xD;
	s1 =	sshrl.u32 s1, $0x2  }
0xb9: {  	s3 =	sand.u32 $0x4000, s31;
	s1 =	sadd.s32 s1, s30  }
0xba: {  	s0 =	sor.u32 s3, s0;
	s1 =	sshll.u32 s1, $0x11  }
0xbb: {  	s0 =	sor.u32 s1, s0  }
0xbc: {  	s0 =	sadd.s32 $0x8F2B, s0  }
0xbd: {  	[sflag:s0] =	ssyncadd.remote.s32 $0x1  }
0xbe: {  	_ =	sfence.sel $0xFFFF  }
0xbf: {  	[dreg:$0x0] =	wrdreg $0xFFFFFFFF;
	(pc) =	sbr.abs _section_cstart, $3  }
0xc0: {  	[dreg:$0x1] =	wrdreg $0xFFFFFFFF  }
0xc1: {  	_ =	task.clear_ibuf [dreg:s6], $0x2FFFF;
	_ =	strace $0x9FFFFFFF  }
0xc2: {  	(tm) =	ssettm $0x7FFFFFFF  }
0xc3: {  	_ =	shalt  }
tec
execute0_lowered:
.L_overlay_start_1:
0x0: {  	(tag) =	ssettag $0x1  }
0x1: {  	s5 =	rddreg [dreg:$0x0]  }
0x2: {  	s2 =	rddreg [dreg:$0x1]  }
0x3: {  	s0 =	rddreg [dreg:$0x2];
	s1 =	stileid.u32  }
0x4: {  	s6 =	srdreg.scid;
	s3 =	simm.s32 $0x0;
	s13 =	simm.s32 $0x40  }
0x5: {  	s14 =	simm.s32 $0x80;
	s15 =	simm.s32 $0x180;
	s16 =	simm.s32 $0x280  }
0x6: {  	s17 =	simm.s32 $0x380;
	s18 =	simm.s32 $0x1;
	s19 =	simm.s32 $0x2  }
0x7: {  	s20 =	simm.s32 $0x3;
	s21 =	simm.s32 $0x4;
	s4 =	smul.u32 $0x2800, s1  }
0x8: {  	s22 =	simm.s32 $0x0;
	s7 =	smul.u32 $0x14000, s1;
	s6 =	sand.u32 $0x1, s6  }
0x9: {  	[smem:$0x7FF] =	sst s3;
	s11 =	smul.u32 $0x50000, s1;
	s31 =	sshll.u32 s1, $0x6  }
0xa: {  	s8 =	smul.u32 $0x140000, s6;
	_ =	strace $0x80000047;
	s26 =	ssub.s32 $0x2, s6  }
0xb: {  	s30 =	smul.u32 $0x1400, s6;
	s6 =	sor.u32 $0x1C05, s31;
	s9 =	sadd.s32 s4, s5  }
0xc: {  	s4 =	sadd.s32 $0x52400, s5;
	s10 =	sshrl.u32 s7, $0x3;
	s28 =	sshrl.u32 s26, $0x1  }
0xd: {  	s29 =	sshrl.u32 s11, $0x2;
	s11 =	simm.s32 $0x5;
	s7 =	sadd.s32 s7, s8  }
0xe: {  	s10 =	sadd.s32 s10, s5;
	s8 =	ssub.s32 s26, s28;
	s12 =	sadd.s32 s29, s2  }
0xf: {  	s9 =	sadd.s32 s30, s9;
	s7 =	sshrl.u32 s7, $0x3;
	s8 =	smax.u32 s8, $0x1  }
0x10: {  	s9 =	sadd.s32 $0x2400, s9;
	s7 =	sadd.s32 s7, s5;
	s5 =	sadd.s32 $0x2A400, s10  }
0x11: {  	s10 =	sshrl.u32 s12, $0x3;
	s12 =	simm.s32 $0x400;
	s7 =	sadd.s32 $0x52800, s7  }
.LBB2_1:
0x12: {  	[spmem:s10], [sflag:s6] =	dma.local [hbm:s5], $0x2800  }
0x13: {  	_ =	swait.ge [sflag:s11], $0x2800  }
0x14: {  	[sflag:s11] =	ssyncset.done $0x0  }
0x15: {  	[sflag:s11] =	ssyncadd.s32 $0xFFFFD800  }
0x16: {  	[tilespmem:s12], [sflag:$0x5] =	stream.linear.gather [hbm4b:s4+s3], $0x2000, $0x38;
	[tilespmem:$0x16400] =	vst v63  }
0x17: {  	_ =	swait.ge [sflag:s11], $0x2000  }
0x18: {  	[sflag:s11] =	ssyncset.done $0x0  }
0x19: {  	[sflag:s11] =	ssyncadd.s32 $0xFFFFE000  }
0x1a: {  	s23 =	sadd.s32 $0x0, s9;
	[bflag:$0x0] =	sbarrier.arrive $0xFFFF  }
0x1b: {  	[tilespmem:s3], [sflag:$0x5] =	stream.linear.gather [hbm4b:s23+s3], $0x400, $0x38;
	[tilespmem:$0x16400] =	vst v63  }
0x1c: {  	_ =	swait.ge [sflag:s11], $0x400  }
0x1d: {  	[sflag:s11] =	ssyncset.done $0x0  }
0x1e: {  	[sflag:s11] =	ssyncadd.s32 $0xFFFFFC00  }
0x1f: {  	[spmem:s2] =	stream.indirect.scatter.add.f32 [tilespmem:s12], [sflag:$0x1], $0x80, s14, s13, $0xb8;
	[tilespmem:$0x16400] =	vst v63  }
0x20: {  	_ = 	snop  }
0x21: {  	[spmem:s2] =	stream.indirect.scatter.add.f32 [tilespmem:s12], [sflag:$0x2], $0x80, s15, s13, $0xb8;
	[tilespmem:$0x16400] =	vst v63  }
0x22: {  	_ = 	snop  }
0x23: {  	[spmem:s2] =	stream.indirect.scatter.add.f32 [tilespmem:s12], [sflag:$0x3], $0x80, s16, s13, $0xb8;
	[tilespmem:$0x16400] =	vst v63  }
0x24: {  	_ = 	snop  }
0x25: {  	[spmem:s2] =	stream.indirect.scatter.add.f32 [tilespmem:s12], [sflag:$0x4], $0x80, s17, s13, $0xb8;
	[tilespmem:$0x16400] =	vst v63  }
0x26: {  	_ =	swait.ge [sflag:s18], $0x2000  }
0x27: {  	[sflag:s18] =	ssyncset.done $0x0  }
0x28: {  	[sflag:s18] =	ssyncadd.s32 $0xFFFFE000  }
0x29: {  	_ =	swait.ge [sflag:s19], $0x2000  }
0x2a: {  	[sflag:s19] =	ssyncset.done $0x0  }
0x2b: {  	[sflag:s19] =	ssyncadd.s32 $0xFFFFE000  }
0x2c: {  	_ =	swait.ge [sflag:s20], $0x2000  }
0x2d: {  	[sflag:s20] =	ssyncset.done $0x0  }
0x2e: {  	[sflag:s20] =	ssyncadd.s32 $0xFFFFE000  }
0x2f: {  	_ =	swait.ge [sflag:s21], $0x2000  }
0x30: {  	s24 =	simm.s32 $0x100;
	s23 =	simm.s32 $0x80;
	[sflag:s21] =	ssyncset.done $0x0  }
.LBB2_2:
0x31: {  	s25 =	sadd.s32 s23, s9  }
0x32: {  	[sflag:s21] =	ssyncadd.s32 $0xFFFFE000;
	s23 =	smov.u32 s24;
	s26 =	sadd.s32 $0x80, s24  }
0x33: {  	[tilespmem:s3], [sflag:$0x5] =	stream.linear.gather [hbm4b:s25+s3], $0x400, $0x38;
	[tilespmem:$0x16400] =	vst v63  }
0x34: {  	p0 =	sne.s32 s24, $0x1380;
	_ =	swait.ge [sflag:s11], $0x400  }
0x35: {  	[sflag:s11] =	ssyncset.done $0x0  }
0x36: {  	[sflag:s11] =	ssyncadd.s32 $0xFFFFFC00  }
0x37: {  	[spmem:s2] =	stream.indirect.scatter.add.f32 [tilespmem:s12], [sflag:$0x1], $0x80, s14, s13, $0xb8;
	[tilespmem:$0x16400] =	vst v63  }
0x38: {  	_ = 	snop  }
0x39: {  	[spmem:s2] =	stream.indirect.scatter.add.f32 [tilespmem:s12], [sflag:$0x2], $0x80, s15, s13, $0xb8;
	[tilespmem:$0x16400] =	vst v63  }
0x3a: {  	_ = 	snop  }
0x3b: {  	[spmem:s2] =	stream.indirect.scatter.add.f32 [tilespmem:s12], [sflag:$0x3], $0x80, s16, s13, $0xb8;
	[tilespmem:$0x16400] =	vst v63  }
0x3c: {  	_ = 	snop  }
0x3d: {  	[spmem:s2] =	stream.indirect.scatter.add.f32 [tilespmem:s12], [sflag:$0x4], $0x80, s17, s13, $0xb8;
	[tilespmem:$0x16400] =	vst v63  }
0x3e: {  	_ =	swait.ge [sflag:s18], $0x2000  }
0x3f: {  	[sflag:s18] =	ssyncset.done $0x0  }
0x40: {  	[sflag:s18] =	ssyncadd.s32 $0xFFFFE000  }
0x41: {  	_ =	swait.ge [sflag:s19], $0x2000  }
0x42: {  	[sflag:s19] =	ssyncset.done $0x0  }
0x43: {  	[sflag:s19] =	ssyncadd.s32 $0xFFFFE000  }
.Ltmp0:
0x44: {  	_ =	swait.ge [sflag:s20], $0x2000;
	(pc) =	sbr.rel @p0 .LBB2_2-.Ltmp0, $4  }
0x45: {  	[sflag:s20] =	ssyncset.done $0x0  }
0x46: {  	[sflag:s20] =	ssyncadd.s32 $0xFFFFE000  }
0x47: {  	_ =	swait.ge [sflag:s21], $0x2000  }
0x48: {  	s24 =	smov.u32 s26;
	[sflag:s21] =	ssyncset.done $0x0  }
0x49: {  	s23 =	sadd.s32 s23, s9;
	[sflag:s21] =	ssyncadd.s32 $0xFFFFE000  }
0x4a: {  	[tilespmem:s3], [sflag:$0x5] =	stream.linear.gather [hbm4b:s23+s3], $0x400, $0x38;
	[tilespmem:$0x16400] =	vst v63  }
0x4b: {  	_ =	swait.ge [sflag:s11], $0x400  }
0x4c: {  	[sflag:s11] =	ssyncset.done $0x0  }
0x4d: {  	[sflag:s11] =	ssyncadd.s32 $0xFFFFFC00  }
0x4e: {  	[spmem:s2] =	stream.indirect.scatter.add.f32 [tilespmem:s12], [sflag:$0x1], $0x80, s14, s13, $0xb8;
	[tilespmem:$0x16400] =	vst v63  }
0x4f: {  	_ = 	snop  }
0x50: {  	[spmem:s2] =	stream.indirect.scatter.add.f32 [tilespmem:s12], [sflag:$0x2], $0x80, s15, s13, $0xb8;
	[tilespmem:$0x16400] =	vst v63  }
0x51: {  	_ = 	snop  }
0x52: {  	[spmem:s2] =	stream.indirect.scatter.add.f32 [tilespmem:s12], [sflag:$0x3], $0x80, s16, s13, $0xb8;
	[tilespmem:$0x16400] =	vst v63  }
0x53: {  	_ = 	snop  }
0x54: {  	[spmem:s2] =	stream.indirect.scatter.add.f32 [tilespmem:s12], [sflag:$0x4], $0x80, s17, s13, $0xb8;
	[tilespmem:$0x16400] =	vst v63  }
0x55: {  	_ =	swait.ge [sflag:s18], $0x2000  }
0x56: {  	[sflag:s18] =	ssyncset.done $0x0  }
0x57: {  	[sflag:s18] =	ssyncadd.s32 $0xFFFFE000  }
0x58: {  	_ =	swait.ge [sflag:s19], $0x2000  }
0x59: {  	[sflag:s19] =	ssyncset.done $0x0  }
0x5a: {  	[sflag:s19] =	ssyncadd.s32 $0xFFFFE000  }
0x5b: {  	_ =	swait.ge [sflag:s20], $0x2000  }
0x5c: {  	[sflag:s20] =	ssyncset.done $0x0  }
0x5d: {  	[sflag:s20] =	ssyncadd.s32 $0xFFFFE000  }
0x5e: {  	_ =	swait.ge [sflag:s21], $0x2000  }
0x5f: {  	s22 =	sadd.s32 $0x1, s22;
	[sflag:s21] =	ssyncset.done $0x0  }
0x60: {  	p0 =	sne.s32 s22, s8;
	[sflag:s21] =	ssyncadd.s32 $0xFFFFE000  }
.Ltmp1:
0x61: {  	[bflag:$0x0] =	sbarrier.arrive $0xFFFF;
	(pc) =	sbr.rel @p0 .LBB2_1-.Ltmp1, $4  }
0x62: {  	[hbm:s7], [sflag:s6] =	dma.local [spmem:s10], $0x2800  }
0x63: {  	_ =	swait.ge [sflag:s11], $0x2800  }
0x64: {  	[sflag:s11] =	ssyncset.done $0x0  }
0x65: {  	[sflag:s11] =	ssyncadd.s32 $0xFFFFD800  }
0x66: {  	_ =	sfence.sel $0x180000  }
0x67: {  	[bflag:$0x0] =	sbarrier.arrive $0xFFFF  }
0x68: {  	p0 =	sne.s32 s1, $0x0;
	_ =	strace $0x90000047  }
0x69: {  	s0 =	sadd.s32 @!p0 $0x100000, s0;
	[bflag:$0x2] =	sbarrier.arrive $0xFFFF  }
0x6a: {  	[sflag:s0] =	ssyncadd.tile.s32 @!p0 $0x1;
	_ =	shalt  }
.Lfunc_end2:
_tile_overlayer_lowered:
.L_overlay_start_2:
0x6b: {  	(tag) =	ssettag $0x2  }
0x6c: {  	s0 =	rddreg [dreg:$0x0];
	s2 =	stileid.u32  }
0x6d: {  	s1 =	rddreg [dreg:$0x1];
	p0 =	sne.s32 s2, $0x0  }
0x6e: {  	s3 =	rddreg [dreg:$0x2];
	[bflag:$0x3] =	sbarrier.arrive $0xFFFF;
	s2 =	simm.s32 @!p0 $0x1C05  }
0x6f: {  	[timem:s3], [sflag:s2] =	dma.local @!p0 [hbm:s0], s1  }
0x70: {  	s0 =	simm.s32 @!p0 $0x5  }
0x71: {  	_ =	swait.ge @!p0 [sflag:s0], s1  }
0x72: {  	s1 =	ssub.s32 @!p0 $0x0, s1;
	[sflag:s0] =	ssyncset.done @!p0 $0x0  }
0x73: {  	[sflag:s0] =	ssyncadd.s32 @!p0 s1  }
0x74: {  	[bflag:$0x3] =	sbarrier.arrive $0xFFFF  }
0x75: {  	_ =	shalt  }

</sc_bundles>
